<compile_context>
chip_gen: v7x
topology: tpu7x:2x2x1
jax: 0.10.2.dev20260603
libtpu: 0.0.44.dev20260713+nightly
codegen_flags: <defaults>
</compile_context>

<pallas_src>
import functools

import jax
import jax.numpy as jnp
from jax import lax
from jax.experimental import pallas as pl
from jax.experimental.pallas import tpu as pltpu
from jax.experimental.pallas import tpu_sc as plsc

H = 512
W = 512
HW = H * W
NPTS = 100000
SCALE = 512.0 / 511.0

_NC = 2
_NS = 16
_NW = _NC * _NS
_BPW = 3136
_LAST = NPTS - _BPW
_NCH = 4
_CPTS = _BPW // _NCH
_L = 16
_U = 1


@functools.partial(
    pl.kernel,
    mesh=plsc.VectorSubcoreMesh(core_axis_name="c", subcore_axis_name="s"),
    out_type=jax.ShapeDtypeStruct((2, NPTS), jnp.float32),
    compiler_params=pltpu.CompilerParams(use_tc_tiling_on_sc=False),
    scratch_types=[
        pltpu.VMEM((_BPW,), jnp.float32),
        pltpu.VMEM((_BPW,), jnp.float32),
        pltpu.VMEM((_CPTS,), jnp.int32),
        pltpu.VMEM((_CPTS,), jnp.int32),
        pltpu.VMEM((_CPTS,), jnp.int32),
        pltpu.VMEM((_CPTS,), jnp.int32),
        pltpu.VMEM((_CPTS,), jnp.float32),
        pltpu.VMEM((_CPTS,), jnp.float32),
        pltpu.VMEM((_CPTS,), jnp.float32),
        pltpu.VMEM((_CPTS,), jnp.float32),
        pltpu.VMEM((_CPTS,), jnp.float32),
        pltpu.VMEM((_CPTS,), jnp.float32),
        pltpu.VMEM((_CPTS,), jnp.float32),
        pltpu.VMEM((_CPTS,), jnp.float32),
        pltpu.VMEM((_BPW,), jnp.float32),
        pltpu.VMEM((_BPW,), jnp.float32),
        pltpu.VMEM_SHARED((HW,), jnp.float32),
        pltpu.VMEM_SHARED((HW,), jnp.float32),
        pltpu.SemaphoreType.DMA,
        pltpu.SemaphoreType.DMA,
        pltpu.SemaphoreType.DMA,
        pltpu.SemaphoreType.DMA,
        pltpu.SemaphoreType.DMA,
        pltpu.SemaphoreType.DMA,
    ],
)
def _sc_points(pt_hbm, fl5_hbm, o_hbm,
               px_v, py_v, i0_v, i1_v, i2_v, i3_v,
               a0_v, a1_v, a2_v, a3_v, b0_v, b1_v, b2_v, b3_v,
               o0_v, o1_v, sf0_v, sf1_v, sem0, sem1, sem2, sem3, ssem0, ssem1):
    idx_refs = (i0_v, i1_v, i2_v, i3_v)
    ga_refs = (a0_v, a1_v, a2_v, a3_v)
    gb_refs = (b0_v, b1_v, b2_v, b3_v)
    sems = (sem0, sem1, sem2, sem3)

    sub = lax.axis_index("s")
    wid = sub * _NC + lax.axis_index("c")
    base = jnp.minimum(wid * _BPW, _LAST)

    sz = HW // _NS
    st0 = pltpu.async_copy(fl5_hbm.at[0, pl.ds(sub * sz, sz)], sf0_v.at[pl.ds(sub * sz, sz)], ssem0)
    st1 = pltpu.async_copy(fl5_hbm.at[1, pl.ds(sub * sz, sz)], sf1_v.at[pl.ds(sub * sz, sz)], ssem1)

    pltpu.sync_copy(pt_hbm.at[0, pl.ds(base, _BPW)], px_v)
    pltpu.sync_copy(pt_hbm.at[1, pl.ds(base, _BPW)], py_v)

    def make_idx_body(ch):
        def body(i, carry):
            for u in range(_U):
                s = pl.ds(ch * _CPTS + (i * _U + u) * _L, _L)
                xi = jnp.minimum((px_v[s] + 0.5).astype(jnp.int32), H - 1)
                yi = jnp.minimum((py_v[s] + 0.5).astype(jnp.int32), W - 1)
                t = (((xi >> 3) * 4 + (yi >> 7)) * 1024
                     + (xi & 7) * 128 + (yi & 127))
                idx_refs[ch][pl.ds((i * _U + u) * _L, _L)] = t
            return carry
        return body

    for ch in range(_NCH):
        lax.fori_loop(0, _CPTS // (_L * _U), make_idx_body(ch), 0)

    st0.wait()
    st1.wait()
    plsc.subcore_barrier()

    copies = []
    for ch in range(_NCH):
        copies.append(pltpu.async_copy(sf0_v.at[idx_refs[ch]], ga_refs[ch], sems[ch]))
        copies.append(pltpu.async_copy(sf1_v.at[idx_refs[ch]], gb_refs[ch], sems[ch]))

    def make_out_body(ch):
        def body(i, carry):
            for u in range(_U):
                s = pl.ds(ch * _CPTS + (i * _U + u) * _L, _L)
                cs = pl.ds((i * _U + u) * _L, _L)
                xi = jnp.minimum((px_v[s] + 0.5).astype(jnp.int32), H - 1)
                yi = jnp.minimum((py_v[s] + 0.5).astype(jnp.int32), W - 1)
                o0_v[s] = (xi.astype(jnp.float32) + ga_refs[ch][cs]) * SCALE
                o1_v[s] = (yi.astype(jnp.float32) + gb_refs[ch][cs]) * SCALE
            return carry
        return body

    for ch in range(_NCH):
        copies[2 * ch].wait()
        copies[2 * ch + 1].wait()
        lax.fori_loop(0, _CPTS // (_L * _U), make_out_body(ch), 0)

    pltpu.sync_copy(o0_v, o_hbm.at[0, pl.ds(base, _BPW)])
    pltpu.sync_copy(o1_v, o_hbm.at[1, pl.ds(base, _BPW)])


def kernel(point, flow, grid):
    del grid
    fl2 = flow[0].reshape(2, 64, 8, 4, 128).transpose(0, 1, 3, 2, 4).reshape(2, HW)
    o = _sc_points(point[0].T, fl2)
    return o.T[None]

# --- scband reference (transcript-rebuilt; emitter-appended) ---
"""Pipeline reference for scband-point-spatial-transformer-80393197846642 (READ-ONLY COPY).

The authoritative reference and input builder live on the scoring server;
editing this copy changes nothing except your own understanding.
"""

import jax, jax.numpy as jnp
import numpy as np

H, W = 512, 512
N = 100000

def setup_inputs(seed: int = 0) -> dict:
    key = jax.random.key(seed)
    k1, k2 = jax.random.split(key)
    # point coords are float but used as (rounded) indices into a 512x512 map
    point = jax.random.randint(k1, (1, N, 2), 0, 512).astype(jnp.float32)
    flow = jax.random.normal(k2, (1, 2, H, W), dtype=jnp.float32)
    # registered buffer 'grid': torch.meshgrid(arange(H), arange(W)) stacked -> [1,2,H,W]
    ys, xs = jnp.meshgrid(jnp.arange(H), jnp.arange(W), indexing='ij')
    grid = jnp.stack([ys, xs])[None].astype(jnp.float32)
    return {"point": point, "flow": flow, "grid": grid}

def reference(point, flow, grid):
    # new_locs = grid + flow, normalized per spatial dim to [-1, 1]
    new_locs = grid + flow  # [1,2,H,W]
    denom = jnp.array([H - 1, W - 1], dtype=jnp.float32).reshape(1, 2, 1, 1)
    new_locs = 2.0 * (new_locs / denom - 0.5)
    # permute to [1,H,W,2] and flip channel order ([..., [1,0]])
    new_locs = jnp.transpose(new_locs, (0, 2, 3, 1))[..., ::-1]
    # intep=False path: round point coords, clamp to 511, gather from new_locs
    x = jnp.minimum(jnp.round(point[0, :, 0]).astype(jnp.int32), 511)
    y = jnp.minimum(jnp.round(point[0, :, 1]).astype(jnp.int32), 511)
    v0 = new_locs[0, x, y, 0]
    v1 = new_locs[0, x, y, 1]
    # new_point[...,0] = (new_locs[...,1]+1)/2*512 ; new_point[...,1] = (new_locs[...,0]+1)/2*512
    new_point = jnp.stack([(v1 + 1.0) / 2.0 * 512.0, (v0 + 1.0) / 2.0 * 512.0], axis=-1)[None]
    return new_point

if __name__ == "__main__":
    import jax
    _d = setup_inputs()
    print(jax.jit(kernel)(*tuple(_d.values())))

</pallas_src>

<mosaic_0001>
#map = affine_map<(d0, d1) -> (0, 0)>
module attributes {stable_mosaic.version = 14 : i64} {
  func.func @_sc_points(%arg0: i32, %arg1: i32, %arg2: memref<2x100000xf32, #tpu.memory_space<hbm>>, %arg3: memref<2x262144xf32, #tpu.memory_space<hbm>>, %arg4: memref<2x100000xf32, #tpu.memory_space<hbm>>, %arg5: memref<3136xf32, #tpu.memory_space<vmem>>, %arg6: memref<3136xf32, #tpu.memory_space<vmem>>, %arg7: memref<784xi32, #tpu.memory_space<vmem>>, %arg8: memref<784xi32, #tpu.memory_space<vmem>>, %arg9: memref<784xi32, #tpu.memory_space<vmem>>, %arg10: memref<784xi32, #tpu.memory_space<vmem>>, %arg11: memref<784xf32, #tpu.memory_space<vmem>>, %arg12: memref<784xf32, #tpu.memory_space<vmem>>, %arg13: memref<784xf32, #tpu.memory_space<vmem>>, %arg14: memref<784xf32, #tpu.memory_space<vmem>>, %arg15: memref<784xf32, #tpu.memory_space<vmem>>, %arg16: memref<784xf32, #tpu.memory_space<vmem>>, %arg17: memref<784xf32, #tpu.memory_space<vmem>>, %arg18: memref<784xf32, #tpu.memory_space<vmem>>, %arg19: memref<3136xf32, #tpu.memory_space<vmem>>, %arg20: memref<3136xf32, #tpu.memory_space<vmem>>, %arg21: memref<262144xf32, #tpu.memory_space<vmem_shared>>, %arg22: memref<262144xf32, #tpu.memory_space<vmem_shared>>, %arg23: memref<!tpu.dma_semaphore, #tpu.memory_space<semaphore_mem>>, %arg24: memref<!tpu.dma_semaphore, #tpu.memory_space<semaphore_mem>>, %arg25: memref<!tpu.dma_semaphore, #tpu.memory_space<semaphore_mem>>, %arg26: memref<!tpu.dma_semaphore, #tpu.memory_space<semaphore_mem>>, %arg27: memref<!tpu.dma_semaphore, #tpu.memory_space<semaphore_mem>>, %arg28: memref<!tpu.dma_semaphore, #tpu.memory_space<semaphore_mem>>) attributes {dimension_semantics = [#tpu.dimension_semantics<core_parallel>, #tpu.dimension_semantics<subcore_parallel>], iteration_bounds = array<i64: 2, 16>, scalar_prefetch = 0 : i64, scratch_operands = 24 : i64, tpu.core_type = #tpu.core_type<sc_vector_subcore>, window_params = [{transform_indices = #map}, {transform_indices = #map}, {transform_indices = #map}]} {
    %mul3A = arith.constant 2 : i32
    %mul3A_0 = arith.muli %arg1, %mul3A : i32
    %add3A = arith.addi %mul3A_0, %arg0 : i32
    %mul3A_1 = arith.constant 3136 : i32
    %mul3A_2 = arith.muli %add3A, %mul3A_1 : i32
    %min3A = arith.constant 96864 : i32
    %min3A_3 = arith.minsi %mul3A_2, %min3A : i32
    %mul3A_4 = arith.constant 16384 : i32
    %mul3A_5 = arith.muli %arg1, %mul3A_4 : i32
    %mul3A_6 = arith.constant 16384 : i32
    %mul3A_7 = arith.muli %arg1, %mul3A_6 : i32
    %dma_start3A = arith.constant 0 : i32
    %dma_start3A_8 = tpu.memref_slice %arg21[%mul3A_7] : memref<262144xf32, #tpu.memory_space<vmem_shared>> -> memref<16384xf32, #tpu.memory_space<vmem_shared>>
    %dma_start3A_9 = tpu.memref_slice %arg3[%dma_start3A, %mul3A_5] : memref<2x262144xf32, #tpu.memory_space<hbm>> -> memref<1x16384xf32, #tpu.memory_space<hbm>>
    %dma_start3A_10 = tpu.memref_squeeze %dma_start3A_9 : memref<1x16384xf32, #tpu.memory_space<hbm>> -> memref<16384xf32, #tpu.memory_space<hbm>>
    tpu.enqueue_dma source(%dma_start3A_10 : memref<16384xf32, #tpu.memory_space<hbm>>) target(%dma_start3A_8 : memref<16384xf32, #tpu.memory_space<vmem_shared>>) target_semaphore(%arg27 : memref<!tpu.dma_semaphore, #tpu.memory_space<semaphore_mem>>)
    %mul3A_11 = arith.constant 16384 : i32
    %mul3A_12 = arith.muli %arg1, %mul3A_11 : i32
    %mul3A_13 = arith.constant 16384 : i32
    %mul3A_14 = arith.muli %arg1, %mul3A_13 : i32
    %dma_start3A_15 = arith.constant 1 : i32
    %dma_start3A_16 = tpu.memref_slice %arg22[%mul3A_14] : memref<262144xf32, #tpu.memory_space<vmem_shared>> -> memref<16384xf32, #tpu.memory_space<vmem_shared>>
    %dma_start3A_17 = tpu.memref_slice %arg3[%dma_start3A_15, %mul3A_12] : memref<2x262144xf32, #tpu.memory_space<hbm>> -> memref<1x16384xf32, #tpu.memory_space<hbm>>
    %dma_start3A_18 = tpu.memref_squeeze %dma_start3A_17 : memref<1x16384xf32, #tpu.memory_space<hbm>> -> memref<16384xf32, #tpu.memory_space<hbm>>
    tpu.enqueue_dma source(%dma_start3A_18 : memref<16384xf32, #tpu.memory_space<hbm>>) target(%dma_start3A_16 : memref<16384xf32, #tpu.memory_space<vmem_shared>>) target_semaphore(%arg28 : memref<!tpu.dma_semaphore, #tpu.memory_space<semaphore_mem>>)
    %run_scoped3A = arith.constant 0 : i32
    "tpu.region"() ({
      %run_scoped3A_108 = tpu.sem_alloc : memref<!tpu.dma_semaphore, #tpu.memory_space<semaphore_mem>>
      %dma_start3A_109 = tpu.memref_slice %arg2[%run_scoped3A, %min3A_3] : memref<2x100000xf32, #tpu.memory_space<hbm>> -> memref<1x3136xf32, #tpu.memory_space<hbm>>
      %dma_start3A_110 = tpu.memref_squeeze %dma_start3A_109 : memref<1x3136xf32, #tpu.memory_space<hbm>> -> memref<3136xf32, #tpu.memory_space<hbm>>
      %dma_start3A_111 = tpu.memref_slice %arg2[%run_scoped3A, %min3A_3] : memref<2x100000xf32, #tpu.memory_space<hbm>> -> memref<1x3136xf32, #tpu.memory_space<hbm>>
      %dma_start3A_112 = tpu.memref_squeeze %dma_start3A_111 : memref<1x3136xf32, #tpu.memory_space<hbm>> -> memref<3136xf32, #tpu.memory_space<hbm>>
      tpu.enqueue_dma source(%dma_start3A_112 : memref<3136xf32, #tpu.memory_space<hbm>>) target(%arg5 : memref<3136xf32, #tpu.memory_space<vmem>>) target_semaphore(%run_scoped3A_108 : memref<!tpu.dma_semaphore, #tpu.memory_space<semaphore_mem>>)
      %dma_wait3A_113 = tpu.memref_slice %arg2[%run_scoped3A, %min3A_3] : memref<2x100000xf32, #tpu.memory_space<hbm>> -> memref<1x3136xf32, #tpu.memory_space<hbm>>
      %dma_wait3A_114 = tpu.memref_squeeze %dma_wait3A_113 : memref<1x3136xf32, #tpu.memory_space<hbm>> -> memref<3136xf32, #tpu.memory_space<hbm>>
      %dma_wait3A_115 = tpu.memref_slice %arg2[%run_scoped3A, %min3A_3] : memref<2x100000xf32, #tpu.memory_space<hbm>> -> memref<1x3136xf32, #tpu.memory_space<hbm>>
      %dma_wait3A_116 = tpu.memref_squeeze %dma_wait3A_115 : memref<1x3136xf32, #tpu.memory_space<hbm>> -> memref<3136xf32, #tpu.memory_space<hbm>>
      tpu.wait_dma2 semaphore(%run_scoped3A_108 : memref<!tpu.dma_semaphore, #tpu.memory_space<semaphore_mem>>) src(%dma_wait3A_116 : memref<3136xf32, #tpu.memory_space<hbm>>) dst(%arg5 : memref<3136xf32, #tpu.memory_space<vmem>>)
      tpu.yield
    }) : () -> ()
    %run_scoped3A_19 = arith.constant 1 : i32
    "tpu.region"() ({
      %run_scoped3A_108 = tpu.sem_alloc : memref<!tpu.dma_semaphore, #tpu.memory_space<semaphore_mem>>
      %dma_start3A_109 = tpu.memref_slice %arg2[%run_scoped3A_19, %min3A_3] : memref<2x100000xf32, #tpu.memory_space<hbm>> -> memref<1x3136xf32, #tpu.memory_space<hbm>>
      %dma_start3A_110 = tpu.memref_squeeze %dma_start3A_109 : memref<1x3136xf32, #tpu.memory_space<hbm>> -> memref<3136xf32, #tpu.memory_space<hbm>>
      %dma_start3A_111 = tpu.memref_slice %arg2[%run_scoped3A_19, %min3A_3] : memref<2x100000xf32, #tpu.memory_space<hbm>> -> memref<1x3136xf32, #tpu.memory_space<hbm>>
      %dma_start3A_112 = tpu.memref_squeeze %dma_start3A_111 : memref<1x3136xf32, #tpu.memory_space<hbm>> -> memref<3136xf32, #tpu.memory_space<hbm>>
      tpu.enqueue_dma source(%dma_start3A_112 : memref<3136xf32, #tpu.memory_space<hbm>>) target(%arg6 : memref<3136xf32, #tpu.memory_space<vmem>>) target_semaphore(%run_scoped3A_108 : memref<!tpu.dma_semaphore, #tpu.memory_space<semaphore_mem>>)
      %dma_wait3A_113 = tpu.memref_slice %arg2[%run_scoped3A_19, %min3A_3] : memref<2x100000xf32, #tpu.memory_space<hbm>> -> memref<1x3136xf32, #tpu.memory_space<hbm>>
      %dma_wait3A_114 = tpu.memref_squeeze %dma_wait3A_113 : memref<1x3136xf32, #tpu.memory_space<hbm>> -> memref<3136xf32, #tpu.memory_space<hbm>>
      %dma_wait3A_115 = tpu.memref_slice %arg2[%run_scoped3A_19, %min3A_3] : memref<2x100000xf32, #tpu.memory_space<hbm>> -> memref<1x3136xf32, #tpu.memory_space<hbm>>
      %dma_wait3A_116 = tpu.memref_squeeze %dma_wait3A_115 : memref<1x3136xf32, #tpu.memory_space<hbm>> -> memref<3136xf32, #tpu.memory_space<hbm>>
      tpu.wait_dma2 semaphore(%run_scoped3A_108 : memref<!tpu.dma_semaphore, #tpu.memory_space<semaphore_mem>>) src(%dma_wait3A_116 : memref<3136xf32, #tpu.memory_space<hbm>>) dst(%arg6 : memref<3136xf32, #tpu.memory_space<vmem>>)
      tpu.yield
    }) : () -> ()
    %scan3A = arith.constant 0 : i32
    %scan3A_20 = arith.constant 0 : i32
    %scan3A_21 = arith.constant 49 : i32
    %scan3A_22 = arith.addi %scan3A_20, %scan3A_21 : i32
    %scan3A_23 = arith.constant 1 : i32
    scf.for %scan3A_108 = %scan3A_20 to %scan3A_22 step %scan3A_23  : i32 {
      %mul3A_109 = arith.constant 1 : i32
      %mul3A_110 = arith.muli %scan3A_108, %mul3A_109 : i32
      %add3A_111 = arith.constant 0 : i32
      %add3A_112 = arith.addi %mul3A_110, %add3A_111 : i32
      %mul3A_113 = arith.constant 16 : i32
      %mul3A_114 = arith.muli %add3A_112, %mul3A_113 : i32
      %add3A_115 = arith.constant 0 : i32
      %add3A_116 = arith.addi %add3A_115, %mul3A_114 : i32
      %get3A = arith.index_cast %add3A_116 : i32 to index
      %get3A_117 = tpu.vector_load %arg5[%get3A] {strides = array<i32>} : memref<3136xf32, #tpu.memory_space<vmem>>, vector<16xf32>,
      %get3A_118 = vector.shape_cast %get3A_117 : vector<16xf32> to vector<16xf32>
      %add3A_119 = arith.constant 5.000000e-01 : f32
      %add3A_120 = vector.broadcast %add3A_119 : f32 to vector<16xf32>
      %add3A_121 = arith.addf %get3A_118, %add3A_120 : vector<16xf32>
      %convert_element_type3A = arith.fptosi %add3A_121 : vector<16xf32> to vector<16xi32>
      %min3A_122 = arith.constant 511 : i32
      %min3A_123 = vector.broadcast %min3A_122 : i32 to vector<16xi32>
      %min3A_124 = arith.minsi %convert_element_type3A, %min3A_123 : vector<16xi32>
      %get3A_125 = arith.index_cast %add3A_116 : i32 to index
      %get3A_126 = tpu.vector_load %arg6[%get3A_125] {strides = array<i32>} : memref<3136xf32, #tpu.memory_space<vmem>>, vector<16xf32>,
      %get3A_127 = vector.shape_cast %get3A_126 : vector<16xf32> to vector<16xf32>
      %add3A_128 = arith.constant 5.000000e-01 : f32
      %add3A_129 = vector.broadcast %add3A_128 : f32 to vector<16xf32>
      %add3A_130 = arith.addf %get3A_127, %add3A_129 : vector<16xf32>
      %convert_element_type3A_131 = arith.fptosi %add3A_130 : vector<16xf32> to vector<16xi32>
      %min3A_132 = arith.constant 511 : i32
      %min3A_133 = vector.broadcast %min3A_132 : i32 to vector<16xi32>
      %min3A_134 = arith.minsi %convert_element_type3A_131, %min3A_133 : vector<16xi32>
      %shift_right_arithmetic3A = arith.constant 3 : i32
      %shift_right_arithmetic3A_135 = vector.broadcast %shift_right_arithmetic3A : i32 to vector<16xi32>
      %shift_right_arithmetic3A_136 = arith.shrsi %min3A_124, %shift_right_arithmetic3A_135 : vector<16xi32>
      %mul3A_137 = arith.constant 4 : i32
      %mul3A_138 = vector.broadcast %mul3A_137 : i32 to vector<16xi32>
      %mul3A_139 = arith.muli %shift_right_arithmetic3A_136, %mul3A_138 : vector<16xi32>
      %shift_right_arithmetic3A_140 = arith.constant 7 : i32
      %shift_right_arithmetic3A_141 = vector.broadcast %shift_right_arithmetic3A_140 : i32 to vector<16xi32>
      %shift_right_arithmetic3A_142 = arith.shrsi %min3A_134, %shift_right_arithmetic3A_141 : vector<16xi32>
      %add3A_143 = arith.addi %mul3A_139, %shift_right_arithmetic3A_142 : vector<16xi32>
      %mul3A_144 = arith.constant 1024 : i32
      %mul3A_145 = vector.broadcast %mul3A_144 : i32 to vector<16xi32>
      %mul3A_146 = arith.muli %add3A_143, %mul3A_145 : vector<16xi32>
      %and3A = arith.constant 7 : i32
      %and3A_147 = vector.broadcast %and3A : i32 to vector<16xi32>
      %and3A_148 = arith.andi %min3A_124, %and3A_147 : vector<16xi32>
      %mul3A_149 = arith.constant 128 : i32
      %mul3A_150 = vector.broadcast %mul3A_149 : i32 to vector<16xi32>
      %mul3A_151 = arith.muli %and3A_148, %mul3A_150 : vector<16xi32>
      %add3A_152 = arith.addi %mul3A_146, %mul3A_151 : vector<16xi32>
      %and3A_153 = arith.constant 127 : i32
      %and3A_154 = vector.broadcast %and3A_153 : i32 to vector<16xi32>
      %and3A_155 = arith.andi %min3A_134, %and3A_154 : vector<16xi32>
      %add3A_156 = arith.addi %add3A_152, %and3A_155 : vector<16xi32>
      %mul3A_157 = arith.constant 1 : i32
      %mul3A_158 = arith.muli %scan3A_108, %mul3A_157 : i32
      %add3A_159 = arith.constant 0 : i32
      %add3A_160 = arith.addi %mul3A_158, %add3A_159 : i32
      %mul3A_161 = arith.constant 16 : i32
      %mul3A_162 = arith.muli %add3A_160, %mul3A_161 : i32
      %swap3A = arith.index_cast %mul3A_162 : i32 to index
      %swap3A_163 = tpu.vector_load %arg7[%swap3A] {strides = array<i32>} : memref<784xi32, #tpu.memory_space<vmem>>, vector<16xi32>,
      %swap3A_164 = vector.shape_cast %swap3A_163 : vector<16xi32> to vector<16xi32>
      %swap3A_165 = vector.shape_cast %add3A_156 : vector<16xi32> to vector<16xi32>
      tpu.vector_store %arg7[%swap3A], %swap3A_165 {strides = array<i32>} : memref<784xi32, #tpu.memory_space<vmem>>, vector<16xi32>,
    }
    %scan3A_24 = arith.constant 49 : i32
    %scan3A_25 = arith.constant 0 : i32
    %scan3A_26 = arith.constant 0 : i32
    %scan3A_27 = arith.constant 49 : i32
    %scan3A_28 = arith.addi %scan3A_26, %scan3A_27 : i32
    %scan3A_29 = arith.constant 1 : i32
    scf.for %scan3A_108 = %scan3A_26 to %scan3A_28 step %scan3A_29  : i32 {
      %mul3A_109 = arith.constant 1 : i32
      %mul3A_110 = arith.muli %scan3A_108, %mul3A_109 : i32
      %add3A_111 = arith.constant 0 : i32
      %add3A_112 = arith.addi %mul3A_110, %add3A_111 : i32
      %mul3A_113 = arith.constant 16 : i32
      %mul3A_114 = arith.muli %add3A_112, %mul3A_113 : i32
      %add3A_115 = arith.constant 784 : i32
      %add3A_116 = arith.addi %add3A_115, %mul3A_114 : i32
      %get3A = arith.index_cast %add3A_116 : i32 to index
      %get3A_117 = tpu.vector_load %arg5[%get3A] {strides = array<i32>} : memref<3136xf32, #tpu.memory_space<vmem>>, vector<16xf32>,
      %get3A_118 = vector.shape_cast %get3A_117 : vector<16xf32> to vector<16xf32>
      %add3A_119 = arith.constant 5.000000e-01 : f32
      %add3A_120 = vector.broadcast %add3A_119 : f32 to vector<16xf32>
      %add3A_121 = arith.addf %get3A_118, %add3A_120 : vector<16xf32>
      %convert_element_type3A = arith.fptosi %add3A_121 : vector<16xf32> to vector<16xi32>
      %min3A_122 = arith.constant 511 : i32
      %min3A_123 = vector.broadcast %min3A_122 : i32 to vector<16xi32>
      %min3A_124 = arith.minsi %convert_element_type3A, %min3A_123 : vector<16xi32>
      %get3A_125 = arith.index_cast %add3A_116 : i32 to index
      %get3A_126 = tpu.vector_load %arg6[%get3A_125] {strides = array<i32>} : memref<3136xf32, #tpu.memory_space<vmem>>, vector<16xf32>,
      %get3A_127 = vector.shape_cast %get3A_126 : vector<16xf32> to vector<16xf32>
      %add3A_128 = arith.constant 5.000000e-01 : f32
      %add3A_129 = vector.broadcast %add3A_128 : f32 to vector<16xf32>
      %add3A_130 = arith.addf %get3A_127, %add3A_129 : vector<16xf32>
      %convert_element_type3A_131 = arith.fptosi %add3A_130 : vector<16xf32> to vector<16xi32>
      %min3A_132 = arith.constant 511 : i32
      %min3A_133 = vector.broadcast %min3A_132 : i32 to vector<16xi32>
      %min3A_134 = arith.minsi %convert_element_type3A_131, %min3A_133 : vector<16xi32>
      %shift_right_arithmetic3A = arith.constant 3 : i32
      %shift_right_arithmetic3A_135 = vector.broadcast %shift_right_arithmetic3A : i32 to vector<16xi32>
      %shift_right_arithmetic3A_136 = arith.shrsi %min3A_124, %shift_right_arithmetic3A_135 : vector<16xi32>
      %mul3A_137 = arith.constant 4 : i32
      %mul3A_138 = vector.broadcast %mul3A_137 : i32 to vector<16xi32>
      %mul3A_139 = arith.muli %shift_right_arithmetic3A_136, %mul3A_138 : vector<16xi32>
      %shift_right_arithmetic3A_140 = arith.constant 7 : i32
      %shift_right_arithmetic3A_141 = vector.broadcast %shift_right_arithmetic3A_140 : i32 to vector<16xi32>
      %shift_right_arithmetic3A_142 = arith.shrsi %min3A_134, %shift_right_arithmetic3A_141 : vector<16xi32>
      %add3A_143 = arith.addi %mul3A_139, %shift_right_arithmetic3A_142 : vector<16xi32>
      %mul3A_144 = arith.constant 1024 : i32
      %mul3A_145 = vector.broadcast %mul3A_144 : i32 to vector<16xi32>
      %mul3A_146 = arith.muli %add3A_143, %mul3A_145 : vector<16xi32>
      %and3A = arith.constant 7 : i32
      %and3A_147 = vector.broadcast %and3A : i32 to vector<16xi32>
      %and3A_148 = arith.andi %min3A_124, %and3A_147 : vector<16xi32>
      %mul3A_149 = arith.constant 128 : i32
      %mul3A_150 = vector.broadcast %mul3A_149 : i32 to vector<16xi32>
      %mul3A_151 = arith.muli %and3A_148, %mul3A_150 : vector<16xi32>
      %add3A_152 = arith.addi %mul3A_146, %mul3A_151 : vector<16xi32>
      %and3A_153 = arith.constant 127 : i32
      %and3A_154 = vector.broadcast %and3A_153 : i32 to vector<16xi32>
      %and3A_155 = arith.andi %min3A_134, %and3A_154 : vector<16xi32>
      %add3A_156 = arith.addi %add3A_152, %and3A_155 : vector<16xi32>
      %mul3A_157 = arith.constant 1 : i32
      %mul3A_158 = arith.muli %scan3A_108, %mul3A_157 : i32
      %add3A_159 = arith.constant 0 : i32
      %add3A_160 = arith.addi %mul3A_158, %add3A_159 : i32
      %mul3A_161 = arith.constant 16 : i32
      %mul3A_162 = arith.muli %add3A_160, %mul3A_161 : i32
      %swap3A = arith.index_cast %mul3A_162 : i32 to index
      %swap3A_163 = tpu.vector_load %arg8[%swap3A] {strides = array<i32>} : memref<784xi32, #tpu.memory_space<vmem>>, vector<16xi32>,
      %swap3A_164 = vector.shape_cast %swap3A_163 : vector<16xi32> to vector<16xi32>
      %swap3A_165 = vector.shape_cast %add3A_156 : vector<16xi32> to vector<16xi32>
      tpu.vector_store %arg8[%swap3A], %swap3A_165 {strides = array<i32>} : memref<784xi32, #tpu.memory_space<vmem>>, vector<16xi32>,
    }
    %scan3A_30 = arith.constant 49 : i32
    %scan3A_31 = arith.constant 0 : i32
    %scan3A_32 = arith.constant 0 : i32
    %scan3A_33 = arith.constant 49 : i32
    %scan3A_34 = arith.addi %scan3A_32, %scan3A_33 : i32
    %scan3A_35 = arith.constant 1 : i32
    scf.for %scan3A_108 = %scan3A_32 to %scan3A_34 step %scan3A_35  : i32 {
      %mul3A_109 = arith.constant 1 : i32
      %mul3A_110 = arith.muli %scan3A_108, %mul3A_109 : i32
      %add3A_111 = arith.constant 0 : i32
      %add3A_112 = arith.addi %mul3A_110, %add3A_111 : i32
      %mul3A_113 = arith.constant 16 : i32
      %mul3A_114 = arith.muli %add3A_112, %mul3A_113 : i32
      %add3A_115 = arith.constant 1568 : i32
      %add3A_116 = arith.addi %add3A_115, %mul3A_114 : i32
      %get3A = arith.index_cast %add3A_116 : i32 to index
      %get3A_117 = tpu.vector_load %arg5[%get3A] {strides = array<i32>} : memref<3136xf32, #tpu.memory_space<vmem>>, vector<16xf32>,
      %get3A_118 = vector.shape_cast %get3A_117 : vector<16xf32> to vector<16xf32>
      %add3A_119 = arith.constant 5.000000e-01 : f32
      %add3A_120 = vector.broadcast %add3A_119 : f32 to vector<16xf32>
      %add3A_121 = arith.addf %get3A_118, %add3A_120 : vector<16xf32>
      %convert_element_type3A = arith.fptosi %add3A_121 : vector<16xf32> to vector<16xi32>
      %min3A_122 = arith.constant 511 : i32
      %min3A_123 = vector.broadcast %min3A_122 : i32 to vector<16xi32>
      %min3A_124 = arith.minsi %convert_element_type3A, %min3A_123 : vector<16xi32>
      %get3A_125 = arith.index_cast %add3A_116 : i32 to index
      %get3A_126 = tpu.vector_load %arg6[%get3A_125] {strides = array<i32>} : memref<3136xf32, #tpu.memory_space<vmem>>, vector<16xf32>,
      %get3A_127 = vector.shape_cast %get3A_126 : vector<16xf32> to vector<16xf32>
      %add3A_128 = arith.constant 5.000000e-01 : f32
      %add3A_129 = vector.broadcast %add3A_128 : f32 to vector<16xf32>
      %add3A_130 = arith.addf %get3A_127, %add3A_129 : vector<16xf32>
      %convert_element_type3A_131 = arith.fptosi %add3A_130 : vector<16xf32> to vector<16xi32>
      %min3A_132 = arith.constant 511 : i32
      %min3A_133 = vector.broadcast %min3A_132 : i32 to vector<16xi32>
      %min3A_134 = arith.minsi %convert_element_type3A_131, %min3A_133 : vector<16xi32>
      %shift_right_arithmetic3A = arith.constant 3 : i32
      %shift_right_arithmetic3A_135 = vector.broadcast %shift_right_arithmetic3A : i32 to vector<16xi32>
      %shift_right_arithmetic3A_136 = arith.shrsi %min3A_124, %shift_right_arithmetic3A_135 : vector<16xi32>
      %mul3A_137 = arith.constant 4 : i32
      %mul3A_138 = vector.broadcast %mul3A_137 : i32 to vector<16xi32>
      %mul3A_139 = arith.muli %shift_right_arithmetic3A_136, %mul3A_138 : vector<16xi32>
      %shift_right_arithmetic3A_140 = arith.constant 7 : i32
      %shift_right_arithmetic3A_141 = vector.broadcast %shift_right_arithmetic3A_140 : i32 to vector<16xi32>
      %shift_right_arithmetic3A_142 = arith.shrsi %min3A_134, %shift_right_arithmetic3A_141 : vector<16xi32>
      %add3A_143 = arith.addi %mul3A_139, %shift_right_arithmetic3A_142 : vector<16xi32>
      %mul3A_144 = arith.constant 1024 : i32
      %mul3A_145 = vector.broadcast %mul3A_144 : i32 to vector<16xi32>
      %mul3A_146 = arith.muli %add3A_143, %mul3A_145 : vector<16xi32>
      %and3A = arith.constant 7 : i32
      %and3A_147 = vector.broadcast %and3A : i32 to vector<16xi32>
      %and3A_148 = arith.andi %min3A_124, %and3A_147 : vector<16xi32>
      %mul3A_149 = arith.constant 128 : i32
      %mul3A_150 = vector.broadcast %mul3A_149 : i32 to vector<16xi32>
      %mul3A_151 = arith.muli %and3A_148, %mul3A_150 : vector<16xi32>
      %add3A_152 = arith.addi %mul3A_146, %mul3A_151 : vector<16xi32>
      %and3A_153 = arith.constant 127 : i32
      %and3A_154 = vector.broadcast %and3A_153 : i32 to vector<16xi32>
      %and3A_155 = arith.andi %min3A_134, %and3A_154 : vector<16xi32>
      %add3A_156 = arith.addi %add3A_152, %and3A_155 : vector<16xi32>
      %mul3A_157 = arith.constant 1 : i32
      %mul3A_158 = arith.muli %scan3A_108, %mul3A_157 : i32
      %add3A_159 = arith.constant 0 : i32
      %add3A_160 = arith.addi %mul3A_158, %add3A_159 : i32
      %mul3A_161 = arith.constant 16 : i32
      %mul3A_162 = arith.muli %add3A_160, %mul3A_161 : i32
      %swap3A = arith.index_cast %mul3A_162 : i32 to index
      %swap3A_163 = tpu.vector_load %arg9[%swap3A] {strides = array<i32>} : memref<784xi32, #tpu.memory_space<vmem>>, vector<16xi32>,
      %swap3A_164 = vector.shape_cast %swap3A_163 : vector<16xi32> to vector<16xi32>
      %swap3A_165 = vector.shape_cast %add3A_156 : vector<16xi32> to vector<16xi32>
      tpu.vector_store %arg9[%swap3A], %swap3A_165 {strides = array<i32>} : memref<784xi32, #tpu.memory_space<vmem>>, vector<16xi32>,
    }
    %scan3A_36 = arith.constant 49 : i32
    %scan3A_37 = arith.constant 0 : i32
    %scan3A_38 = arith.constant 0 : i32
    %scan3A_39 = arith.constant 49 : i32
    %scan3A_40 = arith.addi %scan3A_38, %scan3A_39 : i32
    %scan3A_41 = arith.constant 1 : i32
    scf.for %scan3A_108 = %scan3A_38 to %scan3A_40 step %scan3A_41  : i32 {
      %mul3A_109 = arith.constant 1 : i32
      %mul3A_110 = arith.muli %scan3A_108, %mul3A_109 : i32
      %add3A_111 = arith.constant 0 : i32
      %add3A_112 = arith.addi %mul3A_110, %add3A_111 : i32
      %mul3A_113 = arith.constant 16 : i32
      %mul3A_114 = arith.muli %add3A_112, %mul3A_113 : i32
      %add3A_115 = arith.constant 2352 : i32
      %add3A_116 = arith.addi %add3A_115, %mul3A_114 : i32
      %get3A = arith.index_cast %add3A_116 : i32 to index
      %get3A_117 = tpu.vector_load %arg5[%get3A] {strides = array<i32>} : memref<3136xf32, #tpu.memory_space<vmem>>, vector<16xf32>,
      %get3A_118 = vector.shape_cast %get3A_117 : vector<16xf32> to vector<16xf32>
      %add3A_119 = arith.constant 5.000000e-01 : f32
      %add3A_120 = vector.broadcast %add3A_119 : f32 to vector<16xf32>
      %add3A_121 = arith.addf %get3A_118, %add3A_120 : vector<16xf32>
      %convert_element_type3A = arith.fptosi %add3A_121 : vector<16xf32> to vector<16xi32>
      %min3A_122 = arith.constant 511 : i32
      %min3A_123 = vector.broadcast %min3A_122 : i32 to vector<16xi32>
      %min3A_124 = arith.minsi %convert_element_type3A, %min3A_123 : vector<16xi32>
      %get3A_125 = arith.index_cast %add3A_116 : i32 to index
      %get3A_126 = tpu.vector_load %arg6[%get3A_125] {strides = array<i32>} : memref<3136xf32, #tpu.memory_space<vmem>>, vector<16xf32>,
      %get3A_127 = vector.shape_cast %get3A_126 : vector<16xf32> to vector<16xf32>
      %add3A_128 = arith.constant 5.000000e-01 : f32
      %add3A_129 = vector.broadcast %add3A_128 : f32 to vector<16xf32>
      %add3A_130 = arith.addf %get3A_127, %add3A_129 : vector<16xf32>
      %convert_element_type3A_131 = arith.fptosi %add3A_130 : vector<16xf32> to vector<16xi32>
      %min3A_132 = arith.constant 511 : i32
      %min3A_133 = vector.broadcast %min3A_132 : i32 to vector<16xi32>
      %min3A_134 = arith.minsi %convert_element_type3A_131, %min3A_133 : vector<16xi32>
      %shift_right_arithmetic3A = arith.constant 3 : i32
      %shift_right_arithmetic3A_135 = vector.broadcast %shift_right_arithmetic3A : i32 to vector<16xi32>
      %shift_right_arithmetic3A_136 = arith.shrsi %min3A_124, %shift_right_arithmetic3A_135 : vector<16xi32>
      %mul3A_137 = arith.constant 4 : i32
      %mul3A_138 = vector.broadcast %mul3A_137 : i32 to vector<16xi32>
      %mul3A_139 = arith.muli %shift_right_arithmetic3A_136, %mul3A_138 : vector<16xi32>
      %shift_right_arithmetic3A_140 = arith.constant 7 : i32
      %shift_right_arithmetic3A_141 = vector.broadcast %shift_right_arithmetic3A_140 : i32 to vector<16xi32>
      %shift_right_arithmetic3A_142 = arith.shrsi %min3A_134, %shift_right_arithmetic3A_141 : vector<16xi32>
      %add3A_143 = arith.addi %mul3A_139, %shift_right_arithmetic3A_142 : vector<16xi32>
      %mul3A_144 = arith.constant 1024 : i32
      %mul3A_145 = vector.broadcast %mul3A_144 : i32 to vector<16xi32>
      %mul3A_146 = arith.muli %add3A_143, %mul3A_145 : vector<16xi32>
      %and3A = arith.constant 7 : i32
      %and3A_147 = vector.broadcast %and3A : i32 to vector<16xi32>
      %and3A_148 = arith.andi %min3A_124, %and3A_147 : vector<16xi32>
      %mul3A_149 = arith.constant 128 : i32
      %mul3A_150 = vector.broadcast %mul3A_149 : i32 to vector<16xi32>
      %mul3A_151 = arith.muli %and3A_148, %mul3A_150 : vector<16xi32>
      %add3A_152 = arith.addi %mul3A_146, %mul3A_151 : vector<16xi32>
      %and3A_153 = arith.constant 127 : i32
      %and3A_154 = vector.broadcast %and3A_153 : i32 to vector<16xi32>
      %and3A_155 = arith.andi %min3A_134, %and3A_154 : vector<16xi32>
      %add3A_156 = arith.addi %add3A_152, %and3A_155 : vector<16xi32>
      %mul3A_157 = arith.constant 1 : i32
      %mul3A_158 = arith.muli %scan3A_108, %mul3A_157 : i32
      %add3A_159 = arith.constant 0 : i32
      %add3A_160 = arith.addi %mul3A_158, %add3A_159 : i32
      %mul3A_161 = arith.constant 16 : i32
      %mul3A_162 = arith.muli %add3A_160, %mul3A_161 : i32
      %swap3A = arith.index_cast %mul3A_162 : i32 to index
      %swap3A_163 = tpu.vector_load %arg10[%swap3A] {strides = array<i32>} : memref<784xi32, #tpu.memory_space<vmem>>, vector<16xi32>,
      %swap3A_164 = vector.shape_cast %swap3A_163 : vector<16xi32> to vector<16xi32>
      %swap3A_165 = vector.shape_cast %add3A_156 : vector<16xi32> to vector<16xi32>
      tpu.vector_store %arg10[%swap3A], %swap3A_165 {strides = array<i32>} : memref<784xi32, #tpu.memory_space<vmem>>, vector<16xi32>,
    }
    %scan3A_42 = arith.constant 49 : i32
    %dma_wait3A = arith.constant 0 : i32
    %dma_wait3A_43 = tpu.memref_slice %arg21[%mul3A_7] : memref<262144xf32, #tpu.memory_space<vmem_shared>> -> memref<16384xf32, #tpu.memory_space<vmem_shared>>
    %dma_wait3A_44 = tpu.memref_slice %arg3[%dma_wait3A, %mul3A_5] : memref<2x262144xf32, #tpu.memory_space<hbm>> -> memref<1x16384xf32, #tpu.memory_space<hbm>>
    %dma_wait3A_45 = tpu.memref_squeeze %dma_wait3A_44 : memref<1x16384xf32, #tpu.memory_space<hbm>> -> memref<16384xf32, #tpu.memory_space<hbm>>
    tpu.wait_dma2 semaphore(%arg27 : memref<!tpu.dma_semaphore, #tpu.memory_space<semaphore_mem>>) src(%dma_wait3A_45 : memref<16384xf32, #tpu.memory_space<hbm>>) dst(%dma_wait3A_43 : memref<16384xf32, #tpu.memory_space<vmem_shared>>)
    %dma_wait3A_46 = arith.constant 1 : i32
    %dma_wait3A_47 = tpu.memref_slice %arg22[%mul3A_14] : memref<262144xf32, #tpu.memory_space<vmem_shared>> -> memref<16384xf32, #tpu.memory_space<vmem_shared>>
    %dma_wait3A_48 = tpu.memref_slice %arg3[%dma_wait3A_46, %mul3A_12] : memref<2x262144xf32, #tpu.memory_space<hbm>> -> memref<1x16384xf32, #tpu.memory_space<hbm>>
    %dma_wait3A_49 = tpu.memref_squeeze %dma_wait3A_48 : memref<1x16384xf32, #tpu.memory_space<hbm>> -> memref<16384xf32, #tpu.memory_space<hbm>>
    tpu.wait_dma2 semaphore(%arg28 : memref<!tpu.dma_semaphore, #tpu.memory_space<semaphore_mem>>) src(%dma_wait3A_49 : memref<16384xf32, #tpu.memory_space<hbm>>) dst(%dma_wait3A_47 : memref<16384xf32, #tpu.memory_space<vmem_shared>>)
    %barrier3A = arith.constant 0 : index
    tpu.barrier barrier_id(%barrier3A)
    %dma_start3A_50 = arith.constant 0 : i32
    %dma_start3A_51 = tpu.memref_slice %arg21[%dma_start3A_50] : memref<262144xf32, #tpu.memory_space<vmem_shared>> -> memref<262144xf32, #tpu.memory_space<vmem_shared>>
    tpu.enqueue_indirect_dma source(%dma_start3A_51 : memref<262144xf32, #tpu.memory_space<vmem_shared>>) target(%arg11 : memref<784xf32, #tpu.memory_space<vmem>>) offsets(%arg7 : memref<784xi32, #tpu.memory_space<vmem>>) semaphore(%arg23 : memref<!tpu.dma_semaphore, #tpu.memory_space<semaphore_mem>>)
    %dma_start3A_52 = arith.constant 0 : i32
    %dma_start3A_53 = tpu.memref_slice %arg22[%dma_start3A_52] : memref<262144xf32, #tpu.memory_space<vmem_shared>> -> memref<262144xf32, #tpu.memory_space<vmem_shared>>
    tpu.enqueue_indirect_dma source(%dma_start3A_53 : memref<262144xf32, #tpu.memory_space<vmem_shared>>) target(%arg15 : memref<784xf32, #tpu.memory_space<vmem>>) offsets(%arg7 : memref<784xi32, #tpu.memory_space<vmem>>) semaphore(%arg23 : memref<!tpu.dma_semaphore, #tpu.memory_space<semaphore_mem>>)
    %dma_start3A_54 = arith.constant 0 : i32
    %dma_start3A_55 = tpu.memref_slice %arg21[%dma_start3A_54] : memref<262144xf32, #tpu.memory_space<vmem_shared>> -> memref<262144xf32, #tpu.memory_space<vmem_shared>>
    tpu.enqueue_indirect_dma source(%dma_start3A_55 : memref<262144xf32, #tpu.memory_space<vmem_shared>>) target(%arg12 : memref<784xf32, #tpu.memory_space<vmem>>) offsets(%arg8 : memref<784xi32, #tpu.memory_space<vmem>>) semaphore(%arg24 : memref<!tpu.dma_semaphore, #tpu.memory_space<semaphore_mem>>)
    %dma_start3A_56 = arith.constant 0 : i32
    %dma_start3A_57 = tpu.memref_slice %arg22[%dma_start3A_56] : memref<262144xf32, #tpu.memory_space<vmem_shared>> -> memref<262144xf32, #tpu.memory_space<vmem_shared>>
    tpu.enqueue_indirect_dma source(%dma_start3A_57 : memref<262144xf32, #tpu.memory_space<vmem_shared>>) target(%arg16 : memref<784xf32, #tpu.memory_space<vmem>>) offsets(%arg8 : memref<784xi32, #tpu.memory_space<vmem>>) semaphore(%arg24 : memref<!tpu.dma_semaphore, #tpu.memory_space<semaphore_mem>>)
    %dma_start3A_58 = arith.constant 0 : i32
    %dma_start3A_59 = tpu.memref_slice %arg21[%dma_start3A_58] : memref<262144xf32, #tpu.memory_space<vmem_shared>> -> memref<262144xf32, #tpu.memory_space<vmem_shared>>
    tpu.enqueue_indirect_dma source(%dma_start3A_59 : memref<262144xf32, #tpu.memory_space<vmem_shared>>) target(%arg13 : memref<784xf32, #tpu.memory_space<vmem>>) offsets(%arg9 : memref<784xi32, #tpu.memory_space<vmem>>) semaphore(%arg25 : memref<!tpu.dma_semaphore, #tpu.memory_space<semaphore_mem>>)
    %dma_start3A_60 = arith.constant 0 : i32
    %dma_start3A_61 = tpu.memref_slice %arg22[%dma_start3A_60] : memref<262144xf32, #tpu.memory_space<vmem_shared>> -> memref<262144xf32, #tpu.memory_space<vmem_shared>>
    tpu.enqueue_indirect_dma source(%dma_start3A_61 : memref<262144xf32, #tpu.memory_space<vmem_shared>>) target(%arg17 : memref<784xf32, #tpu.memory_space<vmem>>) offsets(%arg9 : memref<784xi32, #tpu.memory_space<vmem>>) semaphore(%arg25 : memref<!tpu.dma_semaphore, #tpu.memory_space<semaphore_mem>>)
    %dma_start3A_62 = arith.constant 0 : i32
    %dma_start3A_63 = tpu.memref_slice %arg21[%dma_start3A_62] : memref<262144xf32, #tpu.memory_space<vmem_shared>> -> memref<262144xf32, #tpu.memory_space<vmem_shared>>
    tpu.enqueue_indirect_dma source(%dma_start3A_63 : memref<262144xf32, #tpu.memory_space<vmem_shared>>) target(%arg14 : memref<784xf32, #tpu.memory_space<vmem>>) offsets(%arg10 : memref<784xi32, #tpu.memory_space<vmem>>) semaphore(%arg26 : memref<!tpu.dma_semaphore, #tpu.memory_space<semaphore_mem>>)
    %dma_start3A_64 = arith.constant 0 : i32
    %dma_start3A_65 = tpu.memref_slice %arg22[%dma_start3A_64] : memref<262144xf32, #tpu.memory_space<vmem_shared>> -> memref<262144xf32, #tpu.memory_space<vmem_shared>>
    tpu.enqueue_indirect_dma source(%dma_start3A_65 : memref<262144xf32, #tpu.memory_space<vmem_shared>>) target(%arg18 : memref<784xf32, #tpu.memory_space<vmem>>) offsets(%arg10 : memref<784xi32, #tpu.memory_space<vmem>>) semaphore(%arg26 : memref<!tpu.dma_semaphore, #tpu.memory_space<semaphore_mem>>)
    %dma_wait3A_66 = arith.constant 0 : i32
    %dma_wait3A_67 = tpu.memref_slice %arg21[%dma_wait3A_66] : memref<262144xf32, #tpu.memory_space<vmem_shared>> -> memref<262144xf32, #tpu.memory_space<vmem_shared>>
    tpu.wait_indirect_dma semaphore(%arg23 : memref<!tpu.dma_semaphore, #tpu.memory_space<semaphore_mem>>) src(%dma_wait3A_67 : memref<262144xf32, #tpu.memory_space<vmem_shared>>) dst(%arg11 : memref<784xf32, #tpu.memory_space<vmem>>)
    %dma_wait3A_68 = arith.constant 0 : i32
    %dma_wait3A_69 = tpu.memref_slice %arg22[%dma_wait3A_68] : memref<262144xf32, #tpu.memory_space<vmem_shared>> -> memref<262144xf32, #tpu.memory_space<vmem_shared>>
    tpu.wait_indirect_dma semaphore(%arg23 : memref<!tpu.dma_semaphore, #tpu.memory_space<semaphore_mem>>) src(%dma_wait3A_69 : memref<262144xf32, #tpu.memory_space<vmem_shared>>) dst(%arg15 : memref<784xf32, #tpu.memory_space<vmem>>)
    %scan3A_70 = arith.constant 0 : i32
    %scan3A_71 = arith.constant 0 : i32
    %scan3A_72 = arith.constant 49 : i32
    %scan3A_73 = arith.addi %scan3A_71, %scan3A_72 : i32
    %scan3A_74 = arith.constant 1 : i32
    scf.for %scan3A_108 = %scan3A_71 to %scan3A_73 step %scan3A_74  : i32 {
      %mul3A_109 = arith.constant 1 : i32
      %mul3A_110 = arith.muli %scan3A_108, %mul3A_109 : i32
      %add3A_111 = arith.constant 0 : i32
      %add3A_112 = arith.addi %mul3A_110, %add3A_111 : i32
      %mul3A_113 = arith.constant 16 : i32
      %mul3A_114 = arith.muli %add3A_112, %mul3A_113 : i32
      %add3A_115 = arith.constant 0 : i32
      %add3A_116 = arith.addi %add3A_115, %mul3A_114 : i32
      %mul3A_117 = arith.constant 1 : i32
      %mul3A_118 = arith.muli %scan3A_108, %mul3A_117 : i32
      %add3A_119 = arith.constant 0 : i32
      %add3A_120 = arith.addi %mul3A_118, %add3A_119 : i32
      %mul3A_121 = arith.constant 16 : i32
      %mul3A_122 = arith.muli %add3A_120, %mul3A_121 : i32
      %get3A = arith.index_cast %add3A_116 : i32 to index
      %get3A_123 = tpu.vector_load %arg5[%get3A] {strides = array<i32>} : memref<3136xf32, #tpu.memory_space<vmem>>, vector<16xf32>,
      %get3A_124 = vector.shape_cast %get3A_123 : vector<16xf32> to vector<16xf32>
      %add3A_125 = arith.constant 5.000000e-01 : f32
      %add3A_126 = vector.broadcast %add3A_125 : f32 to vector<16xf32>
      %add3A_127 = arith.addf %get3A_124, %add3A_126 : vector<16xf32>
      %convert_element_type3A = arith.fptosi %add3A_127 : vector<16xf32> to vector<16xi32>
      %min3A_128 = arith.constant 511 : i32
      %min3A_129 = vector.broadcast %min3A_128 : i32 to vector<16xi32>
      %min3A_130 = arith.minsi %convert_element_type3A, %min3A_129 : vector<16xi32>
      %get3A_131 = arith.index_cast %add3A_116 : i32 to index
      %get3A_132 = tpu.vector_load %arg6[%get3A_131] {strides = array<i32>} : memref<3136xf32, #tpu.memory_space<vmem>>, vector<16xf32>,
      %get3A_133 = vector.shape_cast %get3A_132 : vector<16xf32> to vector<16xf32>
      %add3A_134 = arith.constant 5.000000e-01 : f32
      %add3A_135 = vector.broadcast %add3A_134 : f32 to vector<16xf32>
      %add3A_136 = arith.addf %get3A_133, %add3A_135 : vector<16xf32>
      %convert_element_type3A_137 = arith.fptosi %add3A_136 : vector<16xf32> to vector<16xi32>
      %min3A_138 = arith.constant 511 : i32
      %min3A_139 = vector.broadcast %min3A_138 : i32 to vector<16xi32>
      %min3A_140 = arith.minsi %convert_element_type3A_137, %min3A_139 : vector<16xi32>
      %convert_element_type3A_141 = arith.sitofp %min3A_130 : vector<16xi32> to vector<16xf32>
      %get3A_142 = arith.index_cast %mul3A_122 : i32 to index
      %get3A_143 = tpu.vector_load %arg11[%get3A_142] {strides = array<i32>} : memref<784xf32, #tpu.memory_space<vmem>>, vector<16xf32>,
      %get3A_144 = vector.shape_cast %get3A_143 : vector<16xf32> to vector<16xf32>
      %add3A_145 = arith.addf %convert_element_type3A_141, %get3A_144 : vector<16xf32>
      %mul3A_146 = arith.constant 1.00195694 : f32
      %mul3A_147 = vector.broadcast %mul3A_146 : f32 to vector<16xf32>
      %mul3A_148 = arith.mulf %add3A_145, %mul3A_147 : vector<16xf32>
      %swap3A = arith.index_cast %add3A_116 : i32 to index
      %swap3A_149 = tpu.vector_load %arg19[%swap3A] {strides = array<i32>} : memref<3136xf32, #tpu.memory_space<vmem>>, vector<16xf32>,
      %swap3A_150 = vector.shape_cast %swap3A_149 : vector<16xf32> to vector<16xf32>
      %swap3A_151 = vector.shape_cast %mul3A_148 : vector<16xf32> to vector<16xf32>
      tpu.vector_store %arg19[%swap3A], %swap3A_151 {strides = array<i32>} : memref<3136xf32, #tpu.memory_space<vmem>>, vector<16xf32>,
      %convert_element_type3A_152 = arith.sitofp %min3A_140 : vector<16xi32> to vector<16xf32>
      %get3A_153 = arith.index_cast %mul3A_122 : i32 to index
      %get3A_154 = tpu.vector_load %arg15[%get3A_153] {strides = array<i32>} : memref<784xf32, #tpu.memory_space<vmem>>, vector<16xf32>,
      %get3A_155 = vector.shape_cast %get3A_154 : vector<16xf32> to vector<16xf32>
      %add3A_156 = arith.addf %convert_element_type3A_152, %get3A_155 : vector<16xf32>
      %mul3A_157 = arith.constant 1.00195694 : f32
      %mul3A_158 = vector.broadcast %mul3A_157 : f32 to vector<16xf32>
      %mul3A_159 = arith.mulf %add3A_156, %mul3A_158 : vector<16xf32>
      %swap3A_160 = arith.index_cast %add3A_116 : i32 to index
      %swap3A_161 = tpu.vector_load %arg20[%swap3A_160] {strides = array<i32>} : memref<3136xf32, #tpu.memory_space<vmem>>, vector<16xf32>,
      %swap3A_162 = vector.shape_cast %swap3A_161 : vector<16xf32> to vector<16xf32>
      %swap3A_163 = vector.shape_cast %mul3A_159 : vector<16xf32> to vector<16xf32>
      tpu.vector_store %arg20[%swap3A_160], %swap3A_163 {strides = array<i32>} : memref<3136xf32, #tpu.memory_space<vmem>>, vector<16xf32>,
    }
    %scan3A_75 = arith.constant 49 : i32
    %dma_wait3A_76 = arith.constant 0 : i32
    %dma_wait3A_77 = tpu.memref_slice %arg21[%dma_wait3A_76] : memref<262144xf32, #tpu.memory_space<vmem_shared>> -> memref<262144xf32, #tpu.memory_space<vmem_shared>>
    tpu.wait_indirect_dma semaphore(%arg24 : memref<!tpu.dma_semaphore, #tpu.memory_space<semaphore_mem>>) src(%dma_wait3A_77 : memref<262144xf32, #tpu.memory_space<vmem_shared>>) dst(%arg12 : memref<784xf32, #tpu.memory_space<vmem>>)
    %dma_wait3A_78 = arith.constant 0 : i32
    %dma_wait3A_79 = tpu.memref_slice %arg22[%dma_wait3A_78] : memref<262144xf32, #tpu.memory_space<vmem_shared>> -> memref<262144xf32, #tpu.memory_space<vmem_shared>>
    tpu.wait_indirect_dma semaphore(%arg24 : memref<!tpu.dma_semaphore, #tpu.memory_space<semaphore_mem>>) src(%dma_wait3A_79 : memref<262144xf32, #tpu.memory_space<vmem_shared>>) dst(%arg16 : memref<784xf32, #tpu.memory_space<vmem>>)
    %scan3A_80 = arith.constant 0 : i32
    %scan3A_81 = arith.constant 0 : i32
    %scan3A_82 = arith.constant 49 : i32
    %scan3A_83 = arith.addi %scan3A_81, %scan3A_82 : i32
    %scan3A_84 = arith.constant 1 : i32
    scf.for %scan3A_108 = %scan3A_81 to %scan3A_83 step %scan3A_84  : i32 {
      %mul3A_109 = arith.constant 1 : i32
      %mul3A_110 = arith.muli %scan3A_108, %mul3A_109 : i32
      %add3A_111 = arith.constant 0 : i32
      %add3A_112 = arith.addi %mul3A_110, %add3A_111 : i32
      %mul3A_113 = arith.constant 16 : i32
      %mul3A_114 = arith.muli %add3A_112, %mul3A_113 : i32
      %add3A_115 = arith.constant 784 : i32
      %add3A_116 = arith.addi %add3A_115, %mul3A_114 : i32
      %mul3A_117 = arith.constant 1 : i32
      %mul3A_118 = arith.muli %scan3A_108, %mul3A_117 : i32
      %add3A_119 = arith.constant 0 : i32
      %add3A_120 = arith.addi %mul3A_118, %add3A_119 : i32
      %mul3A_121 = arith.constant 16 : i32
      %mul3A_122 = arith.muli %add3A_120, %mul3A_121 : i32
      %get3A = arith.index_cast %add3A_116 : i32 to index
      %get3A_123 = tpu.vector_load %arg5[%get3A] {strides = array<i32>} : memref<3136xf32, #tpu.memory_space<vmem>>, vector<16xf32>,
      %get3A_124 = vector.shape_cast %get3A_123 : vector<16xf32> to vector<16xf32>
      %add3A_125 = arith.constant 5.000000e-01 : f32
      %add3A_126 = vector.broadcast %add3A_125 : f32 to vector<16xf32>
      %add3A_127 = arith.addf %get3A_124, %add3A_126 : vector<16xf32>
      %convert_element_type3A = arith.fptosi %add3A_127 : vector<16xf32> to vector<16xi32>
      %min3A_128 = arith.constant 511 : i32
      %min3A_129 = vector.broadcast %min3A_128 : i32 to vector<16xi32>
      %min3A_130 = arith.minsi %convert_element_type3A, %min3A_129 : vector<16xi32>
      %get3A_131 = arith.index_cast %add3A_116 : i32 to index
      %get3A_132 = tpu.vector_load %arg6[%get3A_131] {strides = array<i32>} : memref<3136xf32, #tpu.memory_space<vmem>>, vector<16xf32>,
      %get3A_133 = vector.shape_cast %get3A_132 : vector<16xf32> to vector<16xf32>
      %add3A_134 = arith.constant 5.000000e-01 : f32
      %add3A_135 = vector.broadcast %add3A_134 : f32 to vector<16xf32>
      %add3A_136 = arith.addf %get3A_133, %add3A_135 : vector<16xf32>
      %convert_element_type3A_137 = arith.fptosi %add3A_136 : vector<16xf32> to vector<16xi32>
      %min3A_138 = arith.constant 511 : i32
      %min3A_139 = vector.broadcast %min3A_138 : i32 to vector<16xi32>
      %min3A_140 = arith.minsi %convert_element_type3A_137, %min3A_139 : vector<16xi32>
      %convert_element_type3A_141 = arith.sitofp %min3A_130 : vector<16xi32> to vector<16xf32>
      %get3A_142 = arith.index_cast %mul3A_122 : i32 to index
      %get3A_143 = tpu.vector_load %arg12[%get3A_142] {strides = array<i32>} : memref<784xf32, #tpu.memory_space<vmem>>, vector<16xf32>,
      %get3A_144 = vector.shape_cast %get3A_143 : vector<16xf32> to vector<16xf32>
      %add3A_145 = arith.addf %convert_element_type3A_141, %get3A_144 : vector<16xf32>
      %mul3A_146 = arith.constant 1.00195694 : f32
      %mul3A_147 = vector.broadcast %mul3A_146 : f32 to vector<16xf32>
      %mul3A_148 = arith.mulf %add3A_145, %mul3A_147 : vector<16xf32>
      %swap3A = arith.index_cast %add3A_116 : i32 to index
      %swap3A_149 = tpu.vector_load %arg19[%swap3A] {strides = array<i32>} : memref<3136xf32, #tpu.memory_space<vmem>>, vector<16xf32>,
      %swap3A_150 = vector.shape_cast %swap3A_149 : vector<16xf32> to vector<16xf32>
      %swap3A_151 = vector.shape_cast %mul3A_148 : vector<16xf32> to vector<16xf32>
      tpu.vector_store %arg19[%swap3A], %swap3A_151 {strides = array<i32>} : memref<3136xf32, #tpu.memory_space<vmem>>, vector<16xf32>,
      %convert_element_type3A_152 = arith.sitofp %min3A_140 : vector<16xi32> to vector<16xf32>
      %get3A_153 = arith.index_cast %mul3A_122 : i32 to index
      %get3A_154 = tpu.vector_load %arg16[%get3A_153] {strides = array<i32>} : memref<784xf32, #tpu.memory_space<vmem>>, vector<16xf32>,
      %get3A_155 = vector.shape_cast %get3A_154 : vector<16xf32> to vector<16xf32>
      %add3A_156 = arith.addf %convert_element_type3A_152, %get3A_155 : vector<16xf32>
      %mul3A_157 = arith.constant 1.00195694 : f32
      %mul3A_158 = vector.broadcast %mul3A_157 : f32 to vector<16xf32>
      %mul3A_159 = arith.mulf %add3A_156, %mul3A_158 : vector<16xf32>
      %swap3A_160 = arith.index_cast %add3A_116 : i32 to index
      %swap3A_161 = tpu.vector_load %arg20[%swap3A_160] {strides = array<i32>} : memref<3136xf32, #tpu.memory_space<vmem>>, vector<16xf32>,
      %swap3A_162 = vector.shape_cast %swap3A_161 : vector<16xf32> to vector<16xf32>
      %swap3A_163 = vector.shape_cast %mul3A_159 : vector<16xf32> to vector<16xf32>
      tpu.vector_store %arg20[%swap3A_160], %swap3A_163 {strides = array<i32>} : memref<3136xf32, #tpu.memory_space<vmem>>, vector<16xf32>,
    }
    %scan3A_85 = arith.constant 49 : i32
    %dma_wait3A_86 = arith.constant 0 : i32
    %dma_wait3A_87 = tpu.memref_slice %arg21[%dma_wait3A_86] : memref<262144xf32, #tpu.memory_space<vmem_shared>> -> memref<262144xf32, #tpu.memory_space<vmem_shared>>
    tpu.wait_indirect_dma semaphore(%arg25 : memref<!tpu.dma_semaphore, #tpu.memory_space<semaphore_mem>>) src(%dma_wait3A_87 : memref<262144xf32, #tpu.memory_space<vmem_shared>>) dst(%arg13 : memref<784xf32, #tpu.memory_space<vmem>>)
    %dma_wait3A_88 = arith.constant 0 : i32
    %dma_wait3A_89 = tpu.memref_slice %arg22[%dma_wait3A_88] : memref<262144xf32, #tpu.memory_space<vmem_shared>> -> memref<262144xf32, #tpu.memory_space<vmem_shared>>
    tpu.wait_indirect_dma semaphore(%arg25 : memref<!tpu.dma_semaphore, #tpu.memory_space<semaphore_mem>>) src(%dma_wait3A_89 : memref<262144xf32, #tpu.memory_space<vmem_shared>>) dst(%arg17 : memref<784xf32, #tpu.memory_space<vmem>>)
    %scan3A_90 = arith.constant 0 : i32
    %scan3A_91 = arith.constant 0 : i32
    %scan3A_92 = arith.constant 49 : i32
    %scan3A_93 = arith.addi %scan3A_91, %scan3A_92 : i32
    %scan3A_94 = arith.constant 1 : i32
    scf.for %scan3A_108 = %scan3A_91 to %scan3A_93 step %scan3A_94  : i32 {
      %mul3A_109 = arith.constant 1 : i32
      %mul3A_110 = arith.muli %scan3A_108, %mul3A_109 : i32
      %add3A_111 = arith.constant 0 : i32
      %add3A_112 = arith.addi %mul3A_110, %add3A_111 : i32
      %mul3A_113 = arith.constant 16 : i32
      %mul3A_114 = arith.muli %add3A_112, %mul3A_113 : i32
      %add3A_115 = arith.constant 1568 : i32
      %add3A_116 = arith.addi %add3A_115, %mul3A_114 : i32
      %mul3A_117 = arith.constant 1 : i32
      %mul3A_118 = arith.muli %scan3A_108, %mul3A_117 : i32
      %add3A_119 = arith.constant 0 : i32
      %add3A_120 = arith.addi %mul3A_118, %add3A_119 : i32
      %mul3A_121 = arith.constant 16 : i32
      %mul3A_122 = arith.muli %add3A_120, %mul3A_121 : i32
      %get3A = arith.index_cast %add3A_116 : i32 to index
      %get3A_123 = tpu.vector_load %arg5[%get3A] {strides = array<i32>} : memref<3136xf32, #tpu.memory_space<vmem>>, vector<16xf32>,
      %get3A_124 = vector.shape_cast %get3A_123 : vector<16xf32> to vector<16xf32>
      %add3A_125 = arith.constant 5.000000e-01 : f32
      %add3A_126 = vector.broadcast %add3A_125 : f32 to vector<16xf32>
      %add3A_127 = arith.addf %get3A_124, %add3A_126 : vector<16xf32>
      %convert_element_type3A = arith.fptosi %add3A_127 : vector<16xf32> to vector<16xi32>
      %min3A_128 = arith.constant 511 : i32
      %min3A_129 = vector.broadcast %min3A_128 : i32 to vector<16xi32>
      %min3A_130 = arith.minsi %convert_element_type3A, %min3A_129 : vector<16xi32>
      %get3A_131 = arith.index_cast %add3A_116 : i32 to index
      %get3A_132 = tpu.vector_load %arg6[%get3A_131] {strides = array<i32>} : memref<3136xf32, #tpu.memory_space<vmem>>, vector<16xf32>,
      %get3A_133 = vector.shape_cast %get3A_132 : vector<16xf32> to vector<16xf32>
      %add3A_134 = arith.constant 5.000000e-01 : f32
      %add3A_135 = vector.broadcast %add3A_134 : f32 to vector<16xf32>
      %add3A_136 = arith.addf %get3A_133, %add3A_135 : vector<16xf32>
      %convert_element_type3A_137 = arith.fptosi %add3A_136 : vector<16xf32> to vector<16xi32>
      %min3A_138 = arith.constant 511 : i32
      %min3A_139 = vector.broadcast %min3A_138 : i32 to vector<16xi32>
      %min3A_140 = arith.minsi %convert_element_type3A_137, %min3A_139 : vector<16xi32>
      %convert_element_type3A_141 = arith.sitofp %min3A_130 : vector<16xi32> to vector<16xf32>
      %get3A_142 = arith.index_cast %mul3A_122 : i32 to index
      %get3A_143 = tpu.vector_load %arg13[%get3A_142] {strides = array<i32>} : memref<784xf32, #tpu.memory_space<vmem>>, vector<16xf32>,
      %get3A_144 = vector.shape_cast %get3A_143 : vector<16xf32> to vector<16xf32>
      %add3A_145 = arith.addf %convert_element_type3A_141, %get3A_144 : vector<16xf32>
      %mul3A_146 = arith.constant 1.00195694 : f32
      %mul3A_147 = vector.broadcast %mul3A_146 : f32 to vector<16xf32>
      %mul3A_148 = arith.mulf %add3A_145, %mul3A_147 : vector<16xf32>
      %swap3A = arith.index_cast %add3A_116 : i32 to index
      %swap3A_149 = tpu.vector_load %arg19[%swap3A] {strides = array<i32>} : memref<3136xf32, #tpu.memory_space<vmem>>, vector<16xf32>,
      %swap3A_150 = vector.shape_cast %swap3A_149 : vector<16xf32> to vector<16xf32>
      %swap3A_151 = vector.shape_cast %mul3A_148 : vector<16xf32> to vector<16xf32>
      tpu.vector_store %arg19[%swap3A], %swap3A_151 {strides = array<i32>} : memref<3136xf32, #tpu.memory_space<vmem>>, vector<16xf32>,
      %convert_element_type3A_152 = arith.sitofp %min3A_140 : vector<16xi32> to vector<16xf32>
      %get3A_153 = arith.index_cast %mul3A_122 : i32 to index
      %get3A_154 = tpu.vector_load %arg17[%get3A_153] {strides = array<i32>} : memref<784xf32, #tpu.memory_space<vmem>>, vector<16xf32>,
      %get3A_155 = vector.shape_cast %get3A_154 : vector<16xf32> to vector<16xf32>
      %add3A_156 = arith.addf %convert_element_type3A_152, %get3A_155 : vector<16xf32>
      %mul3A_157 = arith.constant 1.00195694 : f32
      %mul3A_158 = vector.broadcast %mul3A_157 : f32 to vector<16xf32>
      %mul3A_159 = arith.mulf %add3A_156, %mul3A_158 : vector<16xf32>
      %swap3A_160 = arith.index_cast %add3A_116 : i32 to index
      %swap3A_161 = tpu.vector_load %arg20[%swap3A_160] {strides = array<i32>} : memref<3136xf32, #tpu.memory_space<vmem>>, vector<16xf32>,
      %swap3A_162 = vector.shape_cast %swap3A_161 : vector<16xf32> to vector<16xf32>
      %swap3A_163 = vector.shape_cast %mul3A_159 : vector<16xf32> to vector<16xf32>
      tpu.vector_store %arg20[%swap3A_160], %swap3A_163 {strides = array<i32>} : memref<3136xf32, #tpu.memory_space<vmem>>, vector<16xf32>,
    }
    %scan3A_95 = arith.constant 49 : i32
    %dma_wait3A_96 = arith.constant 0 : i32
    %dma_wait3A_97 = tpu.memref_slice %arg21[%dma_wait3A_96] : memref<262144xf32, #tpu.memory_space<vmem_shared>> -> memref<262144xf32, #tpu.memory_space<vmem_shared>>
    tpu.wait_indirect_dma semaphore(%arg26 : memref<!tpu.dma_semaphore, #tpu.memory_space<semaphore_mem>>) src(%dma_wait3A_97 : memref<262144xf32, #tpu.memory_space<vmem_shared>>) dst(%arg14 : memref<784xf32, #tpu.memory_space<vmem>>)
    %dma_wait3A_98 = arith.constant 0 : i32
    %dma_wait3A_99 = tpu.memref_slice %arg22[%dma_wait3A_98] : memref<262144xf32, #tpu.memory_space<vmem_shared>> -> memref<262144xf32, #tpu.memory_space<vmem_shared>>
    tpu.wait_indirect_dma semaphore(%arg26 : memref<!tpu.dma_semaphore, #tpu.memory_space<semaphore_mem>>) src(%dma_wait3A_99 : memref<262144xf32, #tpu.memory_space<vmem_shared>>) dst(%arg18 : memref<784xf32, #tpu.memory_space<vmem>>)
    %scan3A_100 = arith.constant 0 : i32
    %scan3A_101 = arith.constant 0 : i32
    %scan3A_102 = arith.constant 49 : i32
    %scan3A_103 = arith.addi %scan3A_101, %scan3A_102 : i32
    %scan3A_104 = arith.constant 1 : i32
    scf.for %scan3A_108 = %scan3A_101 to %scan3A_103 step %scan3A_104  : i32 {
      %mul3A_109 = arith.constant 1 : i32
      %mul3A_110 = arith.muli %scan3A_108, %mul3A_109 : i32
      %add3A_111 = arith.constant 0 : i32
      %add3A_112 = arith.addi %mul3A_110, %add3A_111 : i32
      %mul3A_113 = arith.constant 16 : i32
      %mul3A_114 = arith.muli %add3A_112, %mul3A_113 : i32
      %add3A_115 = arith.constant 2352 : i32
      %add3A_116 = arith.addi %add3A_115, %mul3A_114 : i32
      %mul3A_117 = arith.constant 1 : i32
      %mul3A_118 = arith.muli %scan3A_108, %mul3A_117 : i32
      %add3A_119 = arith.constant 0 : i32
      %add3A_120 = arith.addi %mul3A_118, %add3A_119 : i32
      %mul3A_121 = arith.constant 16 : i32
      %mul3A_122 = arith.muli %add3A_120, %mul3A_121 : i32
      %get3A = arith.index_cast %add3A_116 : i32 to index
      %get3A_123 = tpu.vector_load %arg5[%get3A] {strides = array<i32>} : memref<3136xf32, #tpu.memory_space<vmem>>, vector<16xf32>,
      %get3A_124 = vector.shape_cast %get3A_123 : vector<16xf32> to vector<16xf32>
      %add3A_125 = arith.constant 5.000000e-01 : f32
      %add3A_126 = vector.broadcast %add3A_125 : f32 to vector<16xf32>
      %add3A_127 = arith.addf %get3A_124, %add3A_126 : vector<16xf32>
      %convert_element_type3A = arith.fptosi %add3A_127 : vector<16xf32> to vector<16xi32>
      %min3A_128 = arith.constant 511 : i32
      %min3A_129 = vector.broadcast %min3A_128 : i32 to vector<16xi32>
      %min3A_130 = arith.minsi %convert_element_type3A, %min3A_129 : vector<16xi32>
      %get3A_131 = arith.index_cast %add3A_116 : i32 to index
      %get3A_132 = tpu.vector_load %arg6[%get3A_131] {strides = array<i32>} : memref<3136xf32, #tpu.memory_space<vmem>>, vector<16xf32>,
      %get3A_133 = vector.shape_cast %get3A_132 : vector<16xf32> to vector<16xf32>
      %add3A_134 = arith.constant 5.000000e-01 : f32
      %add3A_135 = vector.broadcast %add3A_134 : f32 to vector<16xf32>
      %add3A_136 = arith.addf %get3A_133, %add3A_135 : vector<16xf32>
      %convert_element_type3A_137 = arith.fptosi %add3A_136 : vector<16xf32> to vector<16xi32>
      %min3A_138 = arith.constant 511 : i32
      %min3A_139 = vector.broadcast %min3A_138 : i32 to vector<16xi32>
      %min3A_140 = arith.minsi %convert_element_type3A_137, %min3A_139 : vector<16xi32>
      %convert_element_type3A_141 = arith.sitofp %min3A_130 : vector<16xi32> to vector<16xf32>
      %get3A_142 = arith.index_cast %mul3A_122 : i32 to index
      %get3A_143 = tpu.vector_load %arg14[%get3A_142] {strides = array<i32>} : memref<784xf32, #tpu.memory_space<vmem>>, vector<16xf32>,
      %get3A_144 = vector.shape_cast %get3A_143 : vector<16xf32> to vector<16xf32>
      %add3A_145 = arith.addf %convert_element_type3A_141, %get3A_144 : vector<16xf32>
      %mul3A_146 = arith.constant 1.00195694 : f32
      %mul3A_147 = vector.broadcast %mul3A_146 : f32 to vector<16xf32>
      %mul3A_148 = arith.mulf %add3A_145, %mul3A_147 : vector<16xf32>
      %swap3A = arith.index_cast %add3A_116 : i32 to index
      %swap3A_149 = tpu.vector_load %arg19[%swap3A] {strides = array<i32>} : memref<3136xf32, #tpu.memory_space<vmem>>, vector<16xf32>,
      %swap3A_150 = vector.shape_cast %swap3A_149 : vector<16xf32> to vector<16xf32>
      %swap3A_151 = vector.shape_cast %mul3A_148 : vector<16xf32> to vector<16xf32>
      tpu.vector_store %arg19[%swap3A], %swap3A_151 {strides = array<i32>} : memref<3136xf32, #tpu.memory_space<vmem>>, vector<16xf32>,
      %convert_element_type3A_152 = arith.sitofp %min3A_140 : vector<16xi32> to vector<16xf32>
      %get3A_153 = arith.index_cast %mul3A_122 : i32 to index
      %get3A_154 = tpu.vector_load %arg18[%get3A_153] {strides = array<i32>} : memref<784xf32, #tpu.memory_space<vmem>>, vector<16xf32>,
      %get3A_155 = vector.shape_cast %get3A_154 : vector<16xf32> to vector<16xf32>
      %add3A_156 = arith.addf %convert_element_type3A_152, %get3A_155 : vector<16xf32>
      %mul3A_157 = arith.constant 1.00195694 : f32
      %mul3A_158 = vector.broadcast %mul3A_157 : f32 to vector<16xf32>
      %mul3A_159 = arith.mulf %add3A_156, %mul3A_158 : vector<16xf32>
      %swap3A_160 = arith.index_cast %add3A_116 : i32 to index
      %swap3A_161 = tpu.vector_load %arg20[%swap3A_160] {strides = array<i32>} : memref<3136xf32, #tpu.memory_space<vmem>>, vector<16xf32>,
      %swap3A_162 = vector.shape_cast %swap3A_161 : vector<16xf32> to vector<16xf32>
      %swap3A_163 = vector.shape_cast %mul3A_159 : vector<16xf32> to vector<16xf32>
      tpu.vector_store %arg20[%swap3A_160], %swap3A_163 {strides = array<i32>} : memref<3136xf32, #tpu.memory_space<vmem>>, vector<16xf32>,
    }
    %scan3A_105 = arith.constant 49 : i32
    %run_scoped3A_106 = arith.constant 0 : i32
    "tpu.region"() ({
      %run_scoped3A_108 = tpu.sem_alloc : memref<!tpu.dma_semaphore, #tpu.memory_space<semaphore_mem>>
      %dma_start3A_109 = tpu.memref_slice %arg4[%run_scoped3A_106, %min3A_3] : memref<2x100000xf32, #tpu.memory_space<hbm>> -> memref<1x3136xf32, #tpu.memory_space<hbm>>
      %dma_start3A_110 = tpu.memref_squeeze %dma_start3A_109 : memref<1x3136xf32, #tpu.memory_space<hbm>> -> memref<3136xf32, #tpu.memory_space<hbm>>
      %dma_start3A_111 = tpu.memref_slice %arg4[%run_scoped3A_106, %min3A_3] : memref<2x100000xf32, #tpu.memory_space<hbm>> -> memref<1x3136xf32, #tpu.memory_space<hbm>>
      %dma_start3A_112 = tpu.memref_squeeze %dma_start3A_111 : memref<1x3136xf32, #tpu.memory_space<hbm>> -> memref<3136xf32, #tpu.memory_space<hbm>>
      tpu.enqueue_dma source(%arg19 : memref<3136xf32, #tpu.memory_space<vmem>>) target(%dma_start3A_112 : memref<3136xf32, #tpu.memory_space<hbm>>) target_semaphore(%run_scoped3A_108 : memref<!tpu.dma_semaphore, #tpu.memory_space<semaphore_mem>>)
      %dma_wait3A_113 = tpu.memref_slice %arg4[%run_scoped3A_106, %min3A_3] : memref<2x100000xf32, #tpu.memory_space<hbm>> -> memref<1x3136xf32, #tpu.memory_space<hbm>>
      %dma_wait3A_114 = tpu.memref_squeeze %dma_wait3A_113 : memref<1x3136xf32, #tpu.memory_space<hbm>> -> memref<3136xf32, #tpu.memory_space<hbm>>
      %dma_wait3A_115 = tpu.memref_slice %arg4[%run_scoped3A_106, %min3A_3] : memref<2x100000xf32, #tpu.memory_space<hbm>> -> memref<1x3136xf32, #tpu.memory_space<hbm>>
      %dma_wait3A_116 = tpu.memref_squeeze %dma_wait3A_115 : memref<1x3136xf32, #tpu.memory_space<hbm>> -> memref<3136xf32, #tpu.memory_space<hbm>>
      tpu.wait_dma2 semaphore(%run_scoped3A_108 : memref<!tpu.dma_semaphore, #tpu.memory_space<semaphore_mem>>) src(%arg19 : memref<3136xf32, #tpu.memory_space<vmem>>) dst(%dma_wait3A_116 : memref<3136xf32, #tpu.memory_space<hbm>>)
      tpu.yield
    }) : () -> ()
    %run_scoped3A_107 = arith.constant 1 : i32
    "tpu.region"() ({
      %run_scoped3A_108 = tpu.sem_alloc : memref<!tpu.dma_semaphore, #tpu.memory_space<semaphore_mem>>
      %dma_start3A_109 = tpu.memref_slice %arg4[%run_scoped3A_107, %min3A_3] : memref<2x100000xf32, #tpu.memory_space<hbm>> -> memref<1x3136xf32, #tpu.memory_space<hbm>>
      %dma_start3A_110 = tpu.memref_squeeze %dma_start3A_109 : memref<1x3136xf32, #tpu.memory_space<hbm>> -> memref<3136xf32, #tpu.memory_space<hbm>>
      %dma_start3A_111 = tpu.memref_slice %arg4[%run_scoped3A_107, %min3A_3] : memref<2x100000xf32, #tpu.memory_space<hbm>> -> memref<1x3136xf32, #tpu.memory_space<hbm>>
      %dma_start3A_112 = tpu.memref_squeeze %dma_start3A_111 : memref<1x3136xf32, #tpu.memory_space<hbm>> -> memref<3136xf32, #tpu.memory_space<hbm>>
      tpu.enqueue_dma source(%arg20 : memref<3136xf32, #tpu.memory_space<vmem>>) target(%dma_start3A_112 : memref<3136xf32, #tpu.memory_space<hbm>>) target_semaphore(%run_scoped3A_108 : memref<!tpu.dma_semaphore, #tpu.memory_space<semaphore_mem>>)
      %dma_wait3A_113 = tpu.memref_slice %arg4[%run_scoped3A_107, %min3A_3] : memref<2x100000xf32, #tpu.memory_space<hbm>> -> memref<1x3136xf32, #tpu.memory_space<hbm>>
      %dma_wait3A_114 = tpu.memref_squeeze %dma_wait3A_113 : memref<1x3136xf32, #tpu.memory_space<hbm>> -> memref<3136xf32, #tpu.memory_space<hbm>>
      %dma_wait3A_115 = tpu.memref_slice %arg4[%run_scoped3A_107, %min3A_3] : memref<2x100000xf32, #tpu.memory_space<hbm>> -> memref<1x3136xf32, #tpu.memory_space<hbm>>
      %dma_wait3A_116 = tpu.memref_squeeze %dma_wait3A_115 : memref<1x3136xf32, #tpu.memory_space<hbm>> -> memref<3136xf32, #tpu.memory_space<hbm>>
      tpu.wait_dma2 semaphore(%run_scoped3A_108 : memref<!tpu.dma_semaphore, #tpu.memory_space<semaphore_mem>>) src(%arg20 : memref<3136xf32, #tpu.memory_space<vmem>>) dst(%dma_wait3A_116 : memref<3136xf32, #tpu.memory_space<hbm>>)
      tpu.yield
    }) : () -> ()
    return
  }
}

</mosaic_0001>

<sc_bundles>
// kernel: kernel.3.cloned.1.call-start
scs
__scs_entry_jumppad:
0x0: {  	(pc) =	sbr.rel $0x88, $3  }
0x1: {  	(tag) =	ssettag $0x0;
	lr =	simm.s32 $0x1  }
0x2: {  	[smem:$0x3F9F] =	sst lr;
	_ =	strace $0xD0000000  }
0x3: {  	_ = 	snop  }
0x4: {  	_ = 	snop  }
0x5: {  	_ = 	snop  }
0x6: {  	_ = 	snop  }
0x7: {  	_ = 	snop  }
__scs_overlays_trampoline_lowered:
0x8: {  	[smem:$0x3FAE] =	sst s0  }
0x9: {  	[smem:$0x3FAF] =	sst s1  }
0xa: {  	[smem:$0x3FB0] =	sst s2  }
0xb: {  	[smem:$0x3FB1] =	sst s3  }
0xc: {  	[smem:$0x3FB2] =	sst s4  }
0xd: {  	[smem:$0x3FB3] =	sst s5  }
0xe: {  	[smem:$0x3FB4] =	sst s6  }
0xf: {  	[smem:$0x3FB5] =	sst s7  }
0x10: {  	[smem:$0x3FB6] =	sst s8  }
0x11: {  	[smem:$0x3FB7] =	sst s9;
	s0 =	simm.s32 @!p0 $0x0  }
0x12: {  	s1 =	sld [smem:$0x3F9D];
	s0 =	simm.s32 @p0 $0x1  }
0x13: {  	[smem:$0x3FB8] =	sst s0;
	s0 =	simm.s32 @!p1 $0x0  }
0x14: {  	s2 =	sld [smem:$0x3F9C];
	s0 =	simm.s32 @p1 $0x1  }
0x15: {  	[smem:$0x3FB9] =	sst s0;
	s0 =	simm.s32 @!p2 $0x0  }
0x16: {  	s3 =	sld [smem:$0x3FDB];
	s0 =	simm.s32 @p2 $0x1  }
0x17: {  	s4 =	simm.s32 $0x1BF5;
	[smem:$0x3FBB] =	sst s0  }
0x18: {  	s0 =	sld [smem:$0x3F9E];
	_ =	swait.ge [sflag:s4], $0x0  }
0x19: {  	s7 =	sld [smem:$0x3F9F]  }
0x1a: {  	s8 =	sadd.s32 $0xFFFFE003, lr  }
0x1b: {  	s9 =	sadd.s32 $0xFFFFFEF7, lr;
	s5 =	simm.s32 $0xFFFFFFFF;
	p2 =	slt.u32 s8, $0xFFFFF086  }
0x1c: {  	p1 =	slt.u32 s9, $0xF7A;
	s5 =	simm.s32 @!p2 $0x0  }
0x1d: {  	s5 =	simm.s32 @p1 $0x1;
	p0 =	seq.s32 s7, s2  }
0x1e: {  	s7 =	smul.u32 @!p0 $0xF7A, s2;
	p2 =	seq.s32 @!p0 s5, $0x0  }
0x1f: {  	s9 =	smul.u32 $0xF7A, s1;
	s8 =	simm.s32 @!p0 $0x1BF5;
	p2 =	por !p2, p0  }
0x20: {  	[sflag:s8] =	ssyncset.s32 @!p0 $0xFFFFF086;
	s6 =	sadd.s32 @!p0 s3, s7;
	s7 =	simm.s32 @!p0 $0x108  }
0x21: {  	s3 =	sadd.s32 s3, s9;
	s6 =	sadd.s32 @!p0 $0x88, s6;
	s7 =	simm.s32 @p2 $0x1082  }
0x22: {  	[simem:s7], [sflag:s8] =	dma.local @!p0 [hbm:s6], $0xF7A  }
0x23: {  	s9 =	sor.u32 $0xD0000000, s2;
	s6 =	simm.s32 $0x108;
	_ =	swait.ge @!p0 [sflag:s8], $0x0  }
0x24: {  	s3 =	sadd.s32 $0x88, s3;
	s6 =	simm.s32 @!p1 $0x1082;
	[sflag:s4] =	ssyncset.s32 $0xFFFFF086  }
0x25: {  	[simem:s6], [sflag:s4] =	dma.local [hbm:s3], $0xF7A  }
0x26: {  	[smem:$0x3F9F] =	sst s1;
	(tag) =	ssettag s2;
	_ =	strace s9  }
0x27: {  	s1 =	sld [smem:$0x3FAF]  }
0x28: {  	s2 =	sld [smem:$0x3FB0]  }
0x29: {  	s4 =	sld [smem:$0x3FB2]  }
0x2a: {  	p0 =	seq.s32 s5, $0x0;
	s5 =	sld [smem:$0x3FB3]  }
0x2b: {  	s6 =	sld [smem:$0x3FB4]  }
0x2c: {  	s7 =	sld [smem:$0x3FB5]  }
0x2d: {  	s3 =	simm.s32 $0x108;
	s8 =	sld [smem:$0x3FB6]  }
0x2e: {  	s3 =	simm.s32 @!p0 $0x1082;
	s9 =	sld [smem:$0x3FB7]  }
0x2f: {  	lr =	sadd.s32 s0, s3;
	s0 =	sld [smem:$0x3FAE]  }
0x30: {  	s3 =	sld [smem:$0x3FB1]  }
0x31: {  	[smem:$0x3FBA] =	sst s10  }
0x32: {  	s10 =	sld [smem:$0x3FB8];
	_ =	sdelay $0x3  }
0x33: {  	p0 =	seq.s32 s10, $0x1;
	s10 =	sld [smem:$0x3FBA];
	_ =	sdelay $0x3  }
0x34: {  	[smem:$0x3FBA] =	sst s10  }
0x35: {  	s10 =	sld [smem:$0x3FB9];
	_ =	sdelay $0x3  }
0x36: {  	p1 =	seq.s32 s10, $0x1;
	s10 =	sld [smem:$0x3FBA];
	_ =	sdelay $0x3  }
0x37: {  	[smem:$0x3FBA] =	sst s10  }
0x38: {  	s10 =	sld [smem:$0x3FBB]  }
0x39: {  	_ = 	snop;
	(pc) =	sbr.ind lr, $3  }
0x3a: {  	_ = 	snop  }
0x3b: {  	_ = 	snop  }
0x3c: {  	p2 =	seq.s32 s10, $0x1;
	s10 =	sld [smem:$0x3FBA]  }
0x3d: {  	_ =	shalt  }
0x3e: {  	_ =	shalt  }
0x3f: {  	_ =	shalt  }
0x40: {  	_ =	shalt  }
0x41: {  	_ =	shalt  }
0x42: {  	_ =	shalt  }
0x43: {  	_ =	shalt  }
0x44: {  	_ =	shalt  }
0x45: {  	_ =	shalt  }
0x46: {  	_ =	shalt  }
0x47: {  	_ =	shalt  }
0x48: {  	_ =	shalt  }
0x49: {  	_ =	shalt  }
0x4a: {  	_ =	shalt  }
0x4b: {  	_ =	shalt  }
0x4c: {  	_ =	shalt  }
0x4d: {  	_ =	shalt  }
0x4e: {  	_ =	shalt  }
0x4f: {  	_ =	shalt  }
0x50: {  	_ =	shalt  }
0x51: {  	_ =	shalt  }
0x52: {  	_ =	shalt  }
0x53: {  	_ =	shalt  }
0x54: {  	_ =	shalt  }
0x55: {  	_ =	shalt  }
0x56: {  	_ =	shalt  }
0x57: {  	_ =	shalt  }
0x58: {  	_ =	shalt  }
0x59: {  	_ =	shalt  }
0x5a: {  	_ =	shalt  }
0x5b: {  	_ =	shalt  }
0x5c: {  	_ =	shalt  }
0x5d: {  	_ =	shalt  }
0x5e: {  	_ =	shalt  }
0x5f: {  	_ =	shalt  }
0x60: {  	_ =	shalt  }
0x61: {  	_ =	shalt  }
0x62: {  	_ =	shalt  }
0x63: {  	_ =	shalt  }
0x64: {  	_ =	shalt  }
0x65: {  	_ =	shalt  }
0x66: {  	_ =	shalt  }
0x67: {  	_ =	shalt  }
0x68: {  	_ =	shalt  }
0x69: {  	_ =	shalt  }
0x6a: {  	_ =	shalt  }
0x6b: {  	_ =	shalt  }
0x6c: {  	_ =	shalt  }
0x6d: {  	_ =	shalt  }
0x6e: {  	_ =	shalt  }
0x6f: {  	_ =	shalt  }
0x70: {  	_ =	shalt  }
0x71: {  	_ =	shalt  }
0x72: {  	_ =	shalt  }
0x73: {  	_ =	shalt  }
0x74: {  	_ =	shalt  }
0x75: {  	_ =	shalt  }
0x76: {  	_ =	shalt  }
0x77: {  	_ =	shalt  }
0x78: {  	_ =	shalt  }
0x79: {  	_ =	shalt  }
0x7a: {  	_ =	shalt  }
0x7b: {  	_ =	shalt  }
0x7c: {  	_ =	shalt  }
0x7d: {  	_ =	shalt  }
0x7e: {  	_ =	shalt  }
0x7f: {  	_ =	shalt  }
0x80: {  	_ =	shalt  }
0x81: {  	_ =	shalt  }
0x82: {  	_ =	shalt  }
0x83: {  	_ =	shalt  }
0x84: {  	_ =	shalt  }
0x85: {  	_ =	shalt  }
0x86: {  	_ =	shalt  }
0x87: {  	_ =	shalt  }
.Lfunc_end0:
.L_simem_size_0:
called_computation_lowered:
.L_overlay_start_0:
0x88: {  	s2 =	sld [smem:$0x3FD9]  }
0x89: {  	s3 =	sld [smem:$0x3FFE];
	_ =	sdelay $0x1  }
0x8a: {  	s1 =	srdreg.scid  }
0x8b: {  	s0 =	sand.u32 $0x1, s1  }
0x8c: {  	s17 =	sshll.u32 s0, $0xA;
	s2 =	sadd.s32 s3, s2  }
0x8d: {  	s2 =	sadd.s32 s2, s17  }
0x8e: {  	[smem:$0x3FC6] =	sst s2  }
0x8f: {  	_ = 	snop  }
0x90: {  	s2 =	sld [smem:$0x3FC8];
	(tm) =	ssettm $0x1  }
0x91: {  	s18 =	sld [smem:$0x3FFB];
	_ =	sdelay $0x3  }
0x92: {  	_ =	strace s18  }
0x93: {  	s3 =	sld [smem:$0x3FFC];
	_ =	sdelay $0x3  }
0x94: {  	_ =	strace s3  }
0x95: {  	s3 =	sld [smem:$0x3FFD];
	_ =	sdelay $0x3  }
0x96: {  	_ =	strace s3  }
0x97: {  	_ =	strace $0x8FFFFFFF  }
0x98: {  	s19 =	sld [smem:$0x3FDB];
	_ =	sdelay $0x1  }
0x99: {  	s4 =	simm.s32 $_scs_section_size  }
0x9a: {  	s5 =	simm.s32 $_size__tile_overlayer_lowered;
	s6 =	simm.s32 $_tile_overlayer_lowered  }
0x9b: {  	s22 =	simm.s32 $0x1BFF;
	s21 =	sshll.u32 s6, $0x1;
	s3 =	sadd.s32 s4, s19  }
0x9c: {  	s7 =	simm.s32 $0x0;
	s20 =	sshll.u32 s5, $0x1;
	s5 =	sadd.s32 s21, s3  }
0x9d: {  	[timem:s7], [sflag:s22] =	dma.local [hbm:s5], s20  }
0x9e: {  	_ =	swait.ge [sflag:s22], s20  }
0x9f: {  	s4 =	ssub.s32 $0x0, s20;
	[sflag:s22] =	ssyncset.done $0x0  }
0xa0: {  	[sflag:s22] =	ssyncadd.s32 s4;
	_ =	sdelay $0x1  }
0xa1: {  	s23 =	simm.s32 $0x1B8B  }
0xa2: {  	_ =	swait.ge [sflag:s23], $0x1  }
0xa3: {  	[sflag:s23] =	ssyncset.done $0x0  }
0xa4: {  	s25 =	simm.s32 $0x1B8E;
	s24 =	sld [smem:$0x3FFE];
	[sflag:s23] =	ssyncadd.s32 $0xFFFFFFFF  }
0xa5: {  	s26 =	simm.s32 $execute0_lowered;
	[smem:$0x3FD2] =	sst s25  }
0xa6: {  	s5 =	sshll.u32 s26, $0x1;
	_ =	strace $0x80000046;
	[dreg:$0x1] =	wrdreg $0xFFFFFFFF  }
0xa7: {  	s28 =	simm.s32 $_size_execute0_lowered;
	s3 =	sadd.s32 s3, s5;
	[dreg:$0x0] =	wrdreg $0x0  }
0xa8: {  	s5 =	sshll.u32 s28, $0x1;
	[dreg:$0x2] =	wrdreg s3  }
0xa9: {  	[dreg:$0x3] =	wrdreg s5  }
0xaa: {  	[dreg:$0x4] =	wrdreg $0xC0  }
0xab: {  	_ =	task [dreg:s7], $0x5FFFF  }
0xac: {  	[dreg:$0x1] =	wrdreg $0xFFFFFFFF  }
0xad: {  	[dreg:$0x0] =	wrdreg $0x60  }
0xae: {  	[dreg:$0x2] =	wrdreg s24  }
0xaf: {  	[dreg:$0x3] =	wrdreg s2  }
0xb0: {  	[dreg:$0x4] =	wrdreg $0x55C00  }
0xb1: {  	[dreg:$0x5] =	wrdreg $0x95C00  }
0xb2: {  	[dreg:$0x6] =	wrdreg $0x9  }
0xb3: {  	_ =	task.clear_ibuf [dreg:s7], $0x7FFFF;
	_ =	strace $0x90000046  }
0xb4: {  	s29 =	simm.s32 $0x9;
	_ =	strace $0x80000048  }
0xb5: {  	_ =	swait.ge [sflag:s29], $0x1  }
0xb6: {  	[sflag:s29] =	ssyncadd.s32 $0xFFFFFFFF  }
0xb7: {  	_ =	strace $0x90000048  }
0xb8: {  	_ =	sfence  }
0xb9: {  	s30 =	sld [smem:$0x0];
	_ =	sdelay $0x2  }
0xba: {  	s31 =	sshll.u32 s1, $0xD;
	s1 =	sshrl.u32 s1, $0x2  }
0xbb: {  	s3 =	sand.u32 $0x4000, s31;
	s1 =	sadd.s32 s1, s30  }
0xbc: {  	s0 =	sor.u32 s3, s0;
	s1 =	sshll.u32 s1, $0x11  }
0xbd: {  	s0 =	sor.u32 s1, s0  }
0xbe: {  	s0 =	sadd.s32 $0x8F2B, s0  }
0xbf: {  	[sflag:s0] =	ssyncadd.remote.s32 $0x1  }
0xc0: {  	_ =	sfence.sel $0xFFFF  }
0xc1: {  	[dreg:$0x0] =	wrdreg $0xFFFFFFFF;
	(pc) =	sbr.abs _section_cstart, $3  }
0xc2: {  	[dreg:$0x1] =	wrdreg $0xFFFFFFFF  }
0xc3: {  	_ =	task.clear_ibuf [dreg:s7], $0x2FFFF;
	_ =	strace $0x9FFFFFFF  }
0xc4: {  	(tm) =	ssettm $0x7FFFFFFF  }
0xc5: {  	_ =	shalt  }
tec
execute0_lowered:
.L_overlay_start_1:
0x0: {  	(tag) =	ssettag $0x1  }
0x1: {  	s0 =	rddreg [dreg:$0x0]  }
0x2: {  	s2 =	rddreg [dreg:$0x1]  }
0x3: {  	s1 =	rddreg [dreg:$0x2]  }
0x4: {  	s3 =	rddreg [dreg:$0x3];
	s4 =	simm.s32 $0x0  }
0x5: {  	s5 =	srdreg.scid;
	s9 =	stileid.u32;
	s16 =	simm.s32 $0x7  }
0x6: {  	s18 =	simm.s32 $0x5;
	s19 =	simm.s32 $0x6;
	s20 =	simm.s32 $0x310  }
0x7: {  	s28 =	simm.s32 $0x1EA0;
	s31 =	simm.s32 $0x21B0;
	s17 =	simm.s32 $0x1  }
0x8: {  	s30 =	simm.s32 $0x0;
	[smem:$0x7FF] =	sst s4;
	s5 =	sand.u32 $0x1, s5  }
0x9: {  	s6 =	sshll.u32 s9, $0x1;
	s22 =	sadd.s32 $0x400, s0;
	s0 =	sadd.s32 $0x6600, s0  }
0xa: {  	s23 =	sshll.u32 s9, $0xE;
	s25 =	sshll.u32 s9, $0xB;
	s26 =	sshll.u32 s9, $0x6  }
0xb: {  	_ =	strace $0x80000047;
	s7 =	ssub.s32 $0x2, s5;
	s5 =	sor.u32 s5, s6  }
0xc: {  	s13 =	sadd.s32 s23, s1;
	s29 =	sor.u32 $0x1C05, s26;
	s15 =	sadd.s32 s23, s3  }
0xd: {  	s14 =	sor.u32 $0x1C06, s26;
	s23 =	simm.s32 $0x3;
	s5 =	smul.u32 $0xC40, s5  }
0xe: {  	s8 =	sshrl.u32 s7, $0x1;
	[dreg:$0x5] =	wrdreg s29;
	s13 =	sshrl.u32 s13, $0x3  }
0xf: {  	s15 =	sshrl.u32 s15, $0x3;
	s12 =	ssub.s32 s7, s8;
	s24 =	smin.u32 s5, $0x17A60  }
0x10: {  	s5 =	sadd.s32 s2, s25;
	s12 =	smax.u32 s12, $0x1;
	s25 =	simm.s32 $0x4  }
0x11: {  	s10 =	sshrl.u32 s24, $0x3;
	s7 =	sadd.s32 $0x8000, s5;
	s24 =	simm.s32 $0x1B90  }
0x12: {  	s11 =	sadd.s32 $0x30D4, s10;
	s8 =	sadd.s32 s22, s10;
	s10 =	sadd.s32 s0, s10  }
0x13: {  	s9 =	sadd.s32 s22, s11;
	s11 =	sadd.s32 s0, s11;
	s22 =	simm.s32 $0x2  }
.LBB2_1:
0x14: {  	s0 =	rddreg [dreg:$0x5]  }
0x15: {  	[spmem:s13], [sflag:s0] =	dma.local [hbm:s5], $0x800  }
0x16: {  	[spmem:s15], [sflag:s14] =	dma.local [hbm:s7], $0x800  }
0x17: {  	[tilespmem:s4], [sflag:$0x7] =	stream.linear.gather [hbm4b:s8+s4], $0xC40, $0x38;
	[tilespmem:$0xD5C0] =	vst v63  }
0x18: {  	_ =	swait.ge [sflag:s16], $0xC40  }
0x19: {  	[sflag:s16] =	ssyncset.done $0x0  }
0x1a: {  	s29 =	simm.s32 $0xC40;
	[sflag:s16] =	ssyncadd.s32 $0xFFFFF3C0  }
0x1b: {  	[tilespmem:s29], [sflag:$0x7] =	stream.linear.gather [hbm4b:s9+s4], $0xC40, $0x38;
	[tilespmem:$0xD5C0] =	vst v63  }
0x1c: {  	_ =	swait.ge [sflag:s16], $0xC40  }
0x1d: {  	[sflag:s16] =	ssyncset.done $0x0  }
0x1e: {  	s2 =	simm.s32 $0x0;
	[sflag:s16] =	ssyncadd.s32 $0xFFFFF3C0  }
0x1f: {  	v0 =	vld [tilespmem:s2+$0x0]  }
0x20: {  	v1 =	vld [tilespmem:s2+$0xC40];
	_ =	sdelay $0x3  }
0x21: {  	s0 =	simm.s32 $0x10;
	v0 =	vadd.f32 $5.000000000e-01, v0  }
0x22: {  	v2 =	vld [tilespmem:s0+$0xC40];
	v1 =	vadd.f32 $5.000000000e-01, v1  }
0x23: {  	v3 =	vld [tilespmem:s0+$0x0];
	v0 =	vtrunc.f32 v0  }
0x24: {  	v1 =	vtrunc.f32 v1;
	v0 =	vcvt.f32.s32 v0  }
0x25: {  	v1 =	vcvt.f32.s32 v1  }
0x26: {  	vm0 =	vlt.s32 v0, $0x1FF  }
0x27: {  	v5 =	vadd.f32 $5.000000000e-01, v2;
	vm15 =	vlt.s32 v1, $0x1FF;
	v2 =	vnsel vm0, $0x1FF, v0  }
0x28: {  	s26 =	simm.s32 $0x20;
	v4 =	vadd.f32 $5.000000000e-01, v3;
	v0 =	vnsel vm15, $0x1FF, v1;
	v6 =	vshrl.u32 v2, $0x1  }
0x29: {  	s6 =	simm.s32 $0xC0;
	v3 =	vtrunc.f32 v5;
	v1 =	vld [tilespmem:s26+$0xC40];
	v5 =	vand.u32 $0x3FFFFC, v6;
	v6 =	vshrl.u32 v0, $0x7  }
.LBB2_2:
0x2a: {  	p0 =	sne.s32 s6, $0xC00;
	v7 =	vld [tilespmem:s26+$0x0];
	v4 =	vtrunc.f32 v4;
	v5 =	vadd.s32 v6, v5;
	v2 =	vshll.u32 v2, $0x7  }
0x2b: {  	v4 =	vcvt.f32.s32 v4;
	v5 =	vshll.u32 v5, $0xA;
	v2 =	vand.u32 $0x380, v2  }
.Ltmp0:
0x2c: {  	v3 =	vcvt.f32.s32 v3;
	v0 =	vand.u32 $0x7F, v0;
	v2 =	vor.u32 v2, v5;
	(pc) =	sbr.rel @p0 .LBB2_2-.Ltmp0, $4  }
0x2d: {  	vm0 =	vlt.s32 v4, $0x1FF;
	v0 =	vor.u32 v0, v2  }
0x2e: {  	v5 =	vadd.f32 $5.000000000e-01, v1;
	v2 =	vnsel vm0, $0x1FF, v4;
	vm0 =	vlt.s32 v3, $0x1FF;
	[tilespmem:s2+$0x1880] =	vst v0;
	s2 =	smov.u32 s0;
	s0 =	smov.u32 s26  }
0x2f: {  	s26 =	sshra.s32 s6, $0x2;
	v4 =	vadd.f32 $5.000000000e-01, v7;
	v0 =	vnsel vm0, $0x1FF, v3;
	v6 =	vshrl.u32 v2, $0x1  }
0x30: {  	s6 =	sadd.s32 $0x40, s6;
	v1 =	vld [tilespmem:s26+$0xC40];
	v3 =	vtrunc.f32 v5;
	v5 =	vand.u32 $0x3FFFFC, v6;
	v6 =	vshrl.u32 v0, $0x7  }
0x31: {  	v7 =	vld [tilespmem:s26+$0x0];
	_ =	sdelay $0x1  }
0x32: {  	v4 =	vtrunc.f32 v4  }
0x33: {  	v5 =	vadd.s32 v6, v5;
	v2 =	vshll.u32 v2, $0x7;
	v3 =	vcvt.f32.s32 v3  }
0x34: {  	v4 =	vcvt.f32.s32 v4;
	v5 =	vshll.u32 v5, $0xA;
	v2 =	vand.u32 $0x380, v2  }
0x35: {  	v0 =	vand.u32 $0x7F, v0;
	v2 =	vor.u32 v2, v5;
	v5 =	vadd.f32 $5.000000000e-01, v7  }
0x36: {  	vm11 =	vlt.s32 v3, $0x1FF;
	vm0 =	vlt.s32 v4, $0x1FF;
	v1 =	vadd.f32 $5.000000000e-01, v1  }
0x37: {  	v3 =	vnsel vm11, $0x1FF, v3;
	v0 =	vor.u32 v0, v2;
	v5 =	vtrunc.f32 v5  }
0x38: {  	v4 =	vnsel vm0, $0x1FF, v4;
	v1 =	vtrunc.f32 v1;
	v5 =	vcvt.f32.s32 v5  }
0x39: {  	v6 =	vshrl.u32 v4, $0x1;
	v7 =	vshrl.u32 v3, $0x7;
	v1 =	vcvt.f32.s32 v1  }
0x3a: {  	v4 =	vshll.u32 v4, $0x7;
	v6 =	vand.u32 $0x3FFFFC, v6;
	vm12 =	vlt.s32 v5, $0x1FF  }
0x3b: {  	v4 =	vand.u32 $0x380, v4;
	vm13 =	vlt.s32 v1, $0x1FF;
	v5 =	vnsel vm12, $0x1FF, v5  }
0x3c: {  	v2 =	vadd.s32 v7, v6;
	v1 =	vnsel vm13, $0x1FF, v1;
	v6 =	vshrl.u32 v5, $0x1  }
0x3d: {  	v2 =	vshll.u32 v2, $0xA;
	v7 =	vshrl.u32 v1, $0x7;
	v6 =	vand.u32 $0x3FFFFC, v6  }
0x3e: {  	v2 =	vor.u32 v4, v2;
	v5 =	vshll.u32 v5, $0x7;
	v4 =	vadd.s32 v7, v6  }
0x3f: {  	v3 =	vand.u32 $0x7F, v3;
	v5 =	vand.u32 $0x380, v5;
	v4 =	vshll.u32 v4, $0xA  }
0x40: {  	[tilespmem:s2+$0x1880] =	vst v0;
	v0 =	vor.u32 v3, v2;
	v1 =	vand.u32 $0x7F, v1;
	v2 =	vor.u32 v5, v4  }
0x41: {  	[tilespmem:s0+$0x1880] =	vst v0;
	v0 =	vor.u32 v1, v2  }
0x42: {  	s2 =	simm.s32 $0x0;
	[tilespmem:s26+$0x1880] =	vst v0  }
0x43: {  	v0 =	vld [tilespmem:s2+$0x310]  }
0x44: {  	v1 =	vld [tilespmem:s2+$0xF50];
	_ =	sdelay $0x3  }
0x45: {  	s0 =	simm.s32 $0x10;
	v0 =	vadd.f32 $5.000000000e-01, v0  }
0x46: {  	v2 =	vld [tilespmem:s0+$0xF50];
	v1 =	vadd.f32 $5.000000000e-01, v1  }
0x47: {  	v3 =	vld [tilespmem:s0+$0x310];
	v0 =	vtrunc.f32 v0  }
0x48: {  	v1 =	vtrunc.f32 v1;
	v0 =	vcvt.f32.s32 v0  }
0x49: {  	v1 =	vcvt.f32.s32 v1  }
0x4a: {  	vm14 =	vlt.s32 v0, $0x1FF  }
0x4b: {  	v5 =	vadd.f32 $5.000000000e-01, v2;
	vm15 =	vlt.s32 v1, $0x1FF;
	v2 =	vnsel vm14, $0x1FF, v0  }
0x4c: {  	s26 =	simm.s32 $0x20;
	v4 =	vadd.f32 $5.000000000e-01, v3;
	v0 =	vnsel vm15, $0x1FF, v1;
	v6 =	vshrl.u32 v2, $0x1  }
0x4d: {  	s21 =	simm.s32 $0xC0;
	s6 =	simm.s32 $0x0;
	s29 =	simm.s32 $0x10;
	v3 =	vtrunc.f32 v5;
	v1 =	vld [tilespmem:s26+$0xF50];
	v5 =	vand.u32 $0x3FFFFC, v6;
	v6 =	vshrl.u32 v0, $0x7  }
.LBB2_4:
0x4e: {  	p0 =	sne.s32 s21, $0xC00;
	v7 =	vld [tilespmem:s26+$0x310];
	v4 =	vtrunc.f32 v4;
	v5 =	vadd.s32 v6, v5;
	v2 =	vshll.u32 v2, $0x7  }
0x4f: {  	v4 =	vcvt.f32.s32 v4;
	v5 =	vshll.u32 v5, $0xA;
	v2 =	vand.u32 $0x380, v2  }
.Ltmp1:
0x50: {  	v3 =	vcvt.f32.s32 v3;
	v0 =	vand.u32 $0x7F, v0;
	v2 =	vor.u32 v2, v5;
	(pc) =	sbr.rel @p0 .LBB2_4-.Ltmp1, $4  }
0x51: {  	vm0 =	vlt.s32 v4, $0x1FF;
	v0 =	vor.u32 v0, v2  }
0x52: {  	v5 =	vadd.f32 $5.000000000e-01, v1;
	v2 =	vnsel vm0, $0x1FF, v4;
	vm0 =	vlt.s32 v3, $0x1FF;
	[tilespmem:s6+$0x1B90] =	vst v0;
	s6 =	smov.u32 s29;
	s29 =	smov.u32 s26  }
0x53: {  	s26 =	sshra.s32 s21, $0x2;
	v4 =	vadd.f32 $5.000000000e-01, v7;
	v0 =	vnsel vm0, $0x1FF, v3;
	v6 =	vshrl.u32 v2, $0x1  }
0x54: {  	s21 =	sadd.s32 $0x40, s21;
	v1 =	vld [tilespmem:s26+$0xF50];
	v3 =	vtrunc.f32 v5;
	v5 =	vand.u32 $0x3FFFFC, v6;
	v6 =	vshrl.u32 v0, $0x7  }
0x55: {  	v7 =	vld [tilespmem:s26+$0x310];
	_ =	sdelay $0x1  }
0x56: {  	v4 =	vtrunc.f32 v4  }
0x57: {  	v5 =	vadd.s32 v6, v5;
	v2 =	vshll.u32 v2, $0x7;
	v3 =	vcvt.f32.s32 v3  }
0x58: {  	v4 =	vcvt.f32.s32 v4;
	v5 =	vshll.u32 v5, $0xA;
	v2 =	vand.u32 $0x380, v2  }
0x59: {  	v0 =	vand.u32 $0x7F, v0;
	v2 =	vor.u32 v2, v5;
	v5 =	vadd.f32 $5.000000000e-01, v7  }
0x5a: {  	vm11 =	vlt.s32 v3, $0x1FF;
	vm0 =	vlt.s32 v4, $0x1FF;
	v1 =	vadd.f32 $5.000000000e-01, v1  }
0x5b: {  	v3 =	vnsel vm11, $0x1FF, v3;
	v0 =	vor.u32 v0, v2;
	v5 =	vtrunc.f32 v5  }
0x5c: {  	v4 =	vnsel vm0, $0x1FF, v4;
	v1 =	vtrunc.f32 v1;
	v5 =	vcvt.f32.s32 v5  }
0x5d: {  	v6 =	vshrl.u32 v4, $0x1;
	v7 =	vshrl.u32 v3, $0x7;
	v1 =	vcvt.f32.s32 v1  }
0x5e: {  	v4 =	vshll.u32 v4, $0x7;
	v6 =	vand.u32 $0x3FFFFC, v6;
	vm12 =	vlt.s32 v5, $0x1FF  }
0x5f: {  	v4 =	vand.u32 $0x380, v4;
	vm13 =	vlt.s32 v1, $0x1FF;
	v5 =	vnsel vm12, $0x1FF, v5  }
0x60: {  	v2 =	vadd.s32 v7, v6;
	v1 =	vnsel vm13, $0x1FF, v1;
	v6 =	vshrl.u32 v5, $0x1  }
0x61: {  	v2 =	vshll.u32 v2, $0xA;
	v7 =	vshrl.u32 v1, $0x7;
	v6 =	vand.u32 $0x3FFFFC, v6  }
0x62: {  	v2 =	vor.u32 v4, v2;
	v5 =	vshll.u32 v5, $0x7;
	v4 =	vadd.s32 v7, v6  }
0x63: {  	v3 =	vand.u32 $0x7F, v3;
	v5 =	vand.u32 $0x380, v5;
	v4 =	vshll.u32 v4, $0xA  }
0x64: {  	[tilespmem:s6+$0x1B90] =	vst v0;
	v0 =	vor.u32 v3, v2;
	v1 =	vand.u32 $0x7F, v1;
	v2 =	vor.u32 v5, v4  }
0x65: {  	[tilespmem:s29+$0x1B90] =	vst v0;
	v0 =	vor.u32 v1, v2  }
0x66: {  	[tilespmem:s26+$0x1B90] =	vst v0  }
0x67: {  	v0 =	vld [tilespmem:s2+$0x620]  }
0x68: {  	v1 =	vld [tilespmem:s2+$0x1260];
	_ =	sdelay $0x3  }
0x69: {  	v0 =	vadd.f32 $5.000000000e-01, v0  }
0x6a: {  	v2 =	vld [tilespmem:s0+$0x1260];
	v1 =	vadd.f32 $5.000000000e-01, v1  }
0x6b: {  	v3 =	vld [tilespmem:s0+$0x620];
	v0 =	vtrunc.f32 v0  }
0x6c: {  	v1 =	vtrunc.f32 v1;
	v0 =	vcvt.f32.s32 v0  }
0x6d: {  	v1 =	vcvt.f32.s32 v1  }
0x6e: {  	vm14 =	vlt.s32 v0, $0x1FF  }
0x6f: {  	v5 =	vadd.f32 $5.000000000e-01, v2;
	vm15 =	vlt.s32 v1, $0x1FF;
	v2 =	vnsel vm14, $0x1FF, v0  }
0x70: {  	s26 =	simm.s32 $0x20;
	v4 =	vadd.f32 $5.000000000e-01, v3;
	v0 =	vnsel vm15, $0x1FF, v1;
	v6 =	vshrl.u32 v2, $0x1  }
0x71: {  	s6 =	simm.s32 $0xC0;
	v3 =	vtrunc.f32 v5;
	v1 =	vld [tilespmem:s26+$0x1260];
	v5 =	vand.u32 $0x3FFFFC, v6;
	v6 =	vshrl.u32 v0, $0x7  }
.LBB2_6:
0x72: {  	p0 =	sne.s32 s6, $0xC00;
	v7 =	vld [tilespmem:s26+$0x620];
	v4 =	vtrunc.f32 v4;
	v5 =	vadd.s32 v6, v5;
	v2 =	vshll.u32 v2, $0x7  }
0x73: {  	v4 =	vcvt.f32.s32 v4;
	v5 =	vshll.u32 v5, $0xA;
	v2 =	vand.u32 $0x380, v2  }
.Ltmp2:
0x74: {  	v3 =	vcvt.f32.s32 v3;
	v0 =	vand.u32 $0x7F, v0;
	v2 =	vor.u32 v2, v5;
	(pc) =	sbr.rel @p0 .LBB2_6-.Ltmp2, $4  }
0x75: {  	vm0 =	vlt.s32 v4, $0x1FF;
	v0 =	vor.u32 v0, v2  }
0x76: {  	v5 =	vadd.f32 $5.000000000e-01, v1;
	v2 =	vnsel vm0, $0x1FF, v4;
	vm0 =	vlt.s32 v3, $0x1FF;
	[tilespmem:s2+$0x1EA0] =	vst v0;
	s2 =	smov.u32 s0;
	s0 =	smov.u32 s26  }
0x77: {  	s26 =	sshra.s32 s6, $0x2;
	v4 =	vadd.f32 $5.000000000e-01, v7;
	v0 =	vnsel vm0, $0x1FF, v3;
	v6 =	vshrl.u32 v2, $0x1  }
0x78: {  	s6 =	sadd.s32 $0x40, s6;
	v1 =	vld [tilespmem:s26+$0x1260];
	v3 =	vtrunc.f32 v5;
	v5 =	vand.u32 $0x3FFFFC, v6;
	v6 =	vshrl.u32 v0, $0x7  }
0x79: {  	v7 =	vld [tilespmem:s26+$0x620];
	_ =	sdelay $0x1  }
0x7a: {  	v4 =	vtrunc.f32 v4  }
0x7b: {  	v5 =	vadd.s32 v6, v5;
	v2 =	vshll.u32 v2, $0x7;
	v3 =	vcvt.f32.s32 v3  }
0x7c: {  	v4 =	vcvt.f32.s32 v4;
	v5 =	vshll.u32 v5, $0xA;
	v2 =	vand.u32 $0x380, v2  }
0x7d: {  	v0 =	vand.u32 $0x7F, v0;
	v2 =	vor.u32 v2, v5;
	v5 =	vadd.f32 $5.000000000e-01, v7  }
0x7e: {  	vm11 =	vlt.s32 v3, $0x1FF;
	vm0 =	vlt.s32 v4, $0x1FF;
	v1 =	vadd.f32 $5.000000000e-01, v1  }
0x7f: {  	v3 =	vnsel vm11, $0x1FF, v3;
	v0 =	vor.u32 v0, v2;
	v5 =	vtrunc.f32 v5  }
0x80: {  	v4 =	vnsel vm0, $0x1FF, v4;
	v1 =	vtrunc.f32 v1;
	v5 =	vcvt.f32.s32 v5  }
0x81: {  	v6 =	vshrl.u32 v4, $0x1;
	v7 =	vshrl.u32 v3, $0x7;
	v1 =	vcvt.f32.s32 v1  }
0x82: {  	v4 =	vshll.u32 v4, $0x7;
	v6 =	vand.u32 $0x3FFFFC, v6;
	vm12 =	vlt.s32 v5, $0x1FF  }
0x83: {  	v4 =	vand.u32 $0x380, v4;
	vm13 =	vlt.s32 v1, $0x1FF;
	v5 =	vnsel vm12, $0x1FF, v5  }
0x84: {  	v2 =	vadd.s32 v7, v6;
	v1 =	vnsel vm13, $0x1FF, v1;
	v6 =	vshrl.u32 v5, $0x1  }
0x85: {  	v2 =	vshll.u32 v2, $0xA;
	v7 =	vshrl.u32 v1, $0x7;
	v6 =	vand.u32 $0x3FFFFC, v6  }
0x86: {  	v2 =	vor.u32 v4, v2;
	v5 =	vshll.u32 v5, $0x7;
	v4 =	vadd.s32 v7, v6  }
0x87: {  	v3 =	vand.u32 $0x7F, v3;
	v5 =	vand.u32 $0x380, v5;
	v4 =	vshll.u32 v4, $0xA  }
0x88: {  	[tilespmem:s2+$0x1EA0] =	vst v0;
	v0 =	vor.u32 v3, v2;
	v1 =	vand.u32 $0x7F, v1;
	v2 =	vor.u32 v5, v4  }
0x89: {  	[tilespmem:s0+$0x1EA0] =	vst v0;
	v0 =	vor.u32 v1, v2  }
0x8a: {  	s2 =	simm.s32 $0x0;
	[tilespmem:s26+$0x1EA0] =	vst v0  }
0x8b: {  	v0 =	vld [tilespmem:s2+$0x930]  }
0x8c: {  	v1 =	vld [tilespmem:s2+$0x1570];
	_ =	sdelay $0x3  }
0x8d: {  	s0 =	simm.s32 $0x10;
	v0 =	vadd.f32 $5.000000000e-01, v0  }
0x8e: {  	v2 =	vld [tilespmem:s0+$0x1570];
	v1 =	vadd.f32 $5.000000000e-01, v1  }
0x8f: {  	v3 =	vld [tilespmem:s0+$0x930];
	v0 =	vtrunc.f32 v0  }
0x90: {  	v1 =	vtrunc.f32 v1;
	v0 =	vcvt.f32.s32 v0  }
0x91: {  	v1 =	vcvt.f32.s32 v1  }
0x92: {  	vm14 =	vlt.s32 v0, $0x1FF  }
0x93: {  	v5 =	vadd.f32 $5.000000000e-01, v2;
	vm15 =	vlt.s32 v1, $0x1FF;
	v2 =	vnsel vm14, $0x1FF, v0  }
0x94: {  	s26 =	simm.s32 $0x20;
	v4 =	vadd.f32 $5.000000000e-01, v3;
	v1 =	vnsel vm15, $0x1FF, v1;
	v6 =	vshrl.u32 v2, $0x1  }
0x95: {  	s6 =	simm.s32 $0xC0;
	v3 =	vtrunc.f32 v5;
	v0 =	vld [tilespmem:s26+$0x1570];
	v5 =	vand.u32 $0x3FFFFC, v6;
	v6 =	vshrl.u32 v1, $0x7  }
.LBB2_8:
0x96: {  	p0 =	sne.s32 s6, $0xC00;
	v7 =	vld [tilespmem:s26+$0x930];
	v4 =	vtrunc.f32 v4;
	v5 =	vadd.s32 v6, v5;
	v2 =	vshll.u32 v2, $0x7  }
0x97: {  	v4 =	vcvt.f32.s32 v4;
	v5 =	vshll.u32 v5, $0xA;
	v2 =	vand.u32 $0x380, v2  }
.Ltmp3:
0x98: {  	v3 =	vcvt.f32.s32 v3;
	v1 =	vand.u32 $0x7F, v1;
	v2 =	vor.u32 v2, v5;
	(pc) =	sbr.rel @p0 .LBB2_8-.Ltmp3, $4  }
0x99: {  	vm0 =	vlt.s32 v4, $0x1FF;
	v1 =	vor.u32 v1, v2  }
0x9a: {  	v5 =	vadd.f32 $5.000000000e-01, v0;
	v2 =	vnsel vm0, $0x1FF, v4;
	vm0 =	vlt.s32 v3, $0x1FF;
	[tilespmem:s2+$0x21B0] =	vst v1;
	s2 =	smov.u32 s0;
	s0 =	smov.u32 s26  }
0x9b: {  	s26 =	sshra.s32 s6, $0x2;
	v4 =	vadd.f32 $5.000000000e-01, v7;
	v1 =	vnsel vm0, $0x1FF, v3;
	v6 =	vshrl.u32 v2, $0x1  }
0x9c: {  	s6 =	sadd.s32 $0x40, s6;
	v0 =	vld [tilespmem:s26+$0x1570];
	v3 =	vtrunc.f32 v5;
	v5 =	vand.u32 $0x3FFFFC, v6;
	v6 =	vshrl.u32 v1, $0x7  }
0x9d: {  	v7 =	vld [tilespmem:s26+$0x930];
	_ =	sdelay $0x1  }
0x9e: {  	v4 =	vtrunc.f32 v4  }
0x9f: {  	v5 =	vadd.s32 v6, v5;
	v2 =	vshll.u32 v2, $0x7;
	v3 =	vcvt.f32.s32 v3  }
0xa0: {  	v4 =	vcvt.f32.s32 v4;
	v5 =	vshll.u32 v5, $0xA;
	v2 =	vand.u32 $0x380, v2  }
0xa1: {  	v1 =	vand.u32 $0x7F, v1;
	v2 =	vor.u32 v2, v5;
	v5 =	vadd.f32 $5.000000000e-01, v7  }
0xa2: {  	vm1 =	vlt.s32 v3, $0x1FF;
	vm0 =	vlt.s32 v4, $0x1FF;
	v0 =	vadd.f32 $5.000000000e-01, v0  }
0xa3: {  	v3 =	vnsel vm1, $0x1FF, v3;
	v1 =	vor.u32 v1, v2;
	v5 =	vtrunc.f32 v5  }
0xa4: {  	v4 =	vnsel vm0, $0x1FF, v4;
	v0 =	vtrunc.f32 v0;
	v5 =	vcvt.f32.s32 v5  }
0xa5: {  	v6 =	vshrl.u32 v4, $0x1;
	v7 =	vshrl.u32 v3, $0x7;
	v0 =	vcvt.f32.s32 v0  }
0xa6: {  	v4 =	vshll.u32 v4, $0x7;
	v6 =	vand.u32 $0x3FFFFC, v6;
	vm0 =	vlt.s32 v5, $0x1FF  }
0xa7: {  	v4 =	vand.u32 $0x380, v4;
	v5 =	vnsel vm0, $0x1FF, v5;
	vm0 =	vlt.s32 v0, $0x1FF  }
0xa8: {  	v2 =	vadd.s32 v7, v6;
	v0 =	vnsel vm0, $0x1FF, v0;
	v6 =	vshrl.u32 v5, $0x1  }
0xa9: {  	v2 =	vshll.u32 v2, $0xA;
	v6 =	vand.u32 $0x3FFFFC, v6;
	v7 =	vshrl.u32 v0, $0x7  }
0xaa: {  	v2 =	vor.u32 v4, v2;
	v5 =	vshll.u32 v5, $0x7;
	v4 =	vadd.s32 v7, v6  }
0xab: {  	v3 =	vand.u32 $0x7F, v3;
	v5 =	vand.u32 $0x380, v5;
	v4 =	vshll.u32 v4, $0xA  }
0xac: {  	[tilespmem:s2+$0x21B0] =	vst v1;
	v1 =	vor.u32 v3, v2;
	v0 =	vand.u32 $0x7F, v0;
	v2 =	vor.u32 v5, v4  }
0xad: {  	[tilespmem:s0+$0x21B0] =	vst v1;
	v0 =	vor.u32 v0, v2  }
0xae: {  	[tilespmem:s26+$0x21B0] =	vst v0  }
0xaf: {  	_ =	swait.ge [sflag:s18], $0x800  }
0xb0: {  	[sflag:s18] =	ssyncset.done $0x0  }
0xb1: {  	[sflag:s18] =	ssyncadd.s32 $0xFFFFF800  }
0xb2: {  	_ =	swait.ge [sflag:s19], $0x800  }
0xb3: {  	[sflag:s19] =	ssyncset.done $0x0  }
0xb4: {  	[sflag:s19] =	ssyncadd.s32 $0xFFFFF800  }
0xb5: {  	s21 =	simm.s32 $0x1880;
	s26 =	simm.s32 $0x24C0;
	[bflag:$0x0] =	sbarrier.arrive $0xFFFF  }
0xb6: {  	[tilespmem:s26], [sflag:$0x1] =	stream.indirect.gather [spmem:s1], $0x1, s21, s20, $0xb8;
	[tilespmem:$0xD5C0] =	vst v63  }
0xb7: {  	s6 =	simm.s32 $0x3100  }
0xb8: {  	[tilespmem:s6], [sflag:$0x1] =	stream.indirect.gather [spmem:s3], $0x1, s21, s20, $0xb8;
	[tilespmem:$0xD5C0] =	vst v63  }
0xb9: {  	s21 =	simm.s32 $0x27D0  }
0xba: {  	[tilespmem:s21], [sflag:$0x2] =	stream.indirect.gather [spmem:s1], $0x1, s24, s20, $0xb8;
	[tilespmem:$0xD5C0] =	vst v63  }
0xbb: {  	s26 =	simm.s32 $0x3410  }
0xbc: {  	[tilespmem:s26], [sflag:$0x2] =	stream.indirect.gather [spmem:s3], $0x1, s24, s20, $0xb8;
	[tilespmem:$0xD5C0] =	vst v63  }
0xbd: {  	s2 =	simm.s32 $0x2AE0  }
0xbe: {  	[tilespmem:s2], [sflag:$0x3] =	stream.indirect.gather [spmem:s1], $0x1, s28, s20, $0xb8;
	[tilespmem:$0xD5C0] =	vst v63  }
0xbf: {  	s6 =	simm.s32 $0x3720  }
0xc0: {  	[tilespmem:s6], [sflag:$0x3] =	stream.indirect.gather [spmem:s3], $0x1, s28, s20, $0xb8;
	[tilespmem:$0xD5C0] =	vst v63  }
0xc1: {  	s21 =	simm.s32 $0x2DF0  }
0xc2: {  	[tilespmem:s21], [sflag:$0x4] =	stream.indirect.gather [spmem:s1], $0x1, s31, s20, $0xb8;
	[tilespmem:$0xD5C0] =	vst v63  }
0xc3: {  	s26 =	simm.s32 $0x3A30  }
0xc4: {  	[tilespmem:s26], [sflag:$0x4] =	stream.indirect.gather [spmem:s3], $0x1, s31, s20, $0xb8;
	[tilespmem:$0xD5C0] =	vst v63  }
0xc5: {  	_ =	swait.ge [sflag:s17], $0x310  }
0xc6: {  	[sflag:s17] =	ssyncset.done $0x0  }
0xc7: {  	[sflag:s17] =	ssyncadd.s32 $0xFFFFFCF0  }
0xc8: {  	_ =	swait.ge [sflag:s17], $0x310  }
0xc9: {  	[sflag:s17] =	ssyncset.done $0x0  }
0xca: {  	s29 =	simm.s32 $0x0;
	[sflag:s17] =	ssyncadd.s32 $0xFFFFFCF0  }
0xcb: {  	v0 =	vld [tilespmem:s29+$0xC40];
	_ =	sdelay $0x4  }
0xcc: {  	s0 =	simm.s32 $0x10;
	v1 =	vld [tilespmem:s29+$0x0];
	v0 =	vadd.f32 $5.000000000e-01, v0  }
0xcd: {  	v2 =	vld [tilespmem:s0+$0xC40]  }
0xce: {  	v3 =	vld [tilespmem:s0+$0x0];
	v0 =	vtrunc.f32 v0  }
0xcf: {  	v0 =	vcvt.f32.s32 v0  }
0xd0: {  	s2 =	simm.s32 $0x20;
	v4 =	vld [tilespmem:s29+$0x3100]  }
0xd1: {  	v5 =	vld [tilespmem:s2+$0xC40];
	v1 =	vadd.f32 $5.000000000e-01, v1;
	vm0 =	vlt.s32 v0, $0x1FF  }
0xd2: {  	v2 =	vadd.f32 $5.000000000e-01, v2;
	v0 =	vnsel vm0, $0x1FF, v0  }
0xd3: {  	v3 =	vadd.f32 $5.000000000e-01, v3;
	v1 =	vtrunc.f32 v1;
	v0 =	vcvt.s32.f32 v0  }
0xd4: {  	v6 =	vld [tilespmem:s2+$0x0];
	v2 =	vtrunc.f32 v2;
	v1 =	vcvt.f32.s32 v1  }
0xd5: {  	v7 =	vld [tilespmem:s29+$0x24C0];
	v3 =	vtrunc.f32 v3;
	v2 =	vcvt.f32.s32 v2;
	v0 =	vadd.f32 v0, v4  }
0xd6: {  	v8 =	vld [tilespmem:s0+$0x3100];
	v5 =	vadd.f32 $5.000000000e-01, v5;
	v3 =	vcvt.f32.s32 v3;
	vm0 =	vlt.s32 v1, $0x1FF  }
0xd7: {  	s26 =	simm.s32 $0x30;
	v9 =	vld [tilespmem:s0+$0x24C0];
	v1 =	vnsel vm0, $0x1FF, v1;
	vm0 =	vlt.s32 v2, $0x1FF;
	v10 =	vmul.f32 $1.001956940e+00, v0  }
0xd8: {  	v1 =	vcvt.s32.f32 v1;
	v2 =	vnsel vm0, $0x1FF, v2;
	vm0 =	vlt.s32 v3, $0x1FF;
	v4 =	vld [tilespmem:s26+$0xC40]  }
0xd9: {  	v6 =	vadd.f32 $5.000000000e-01, v6;
	v3 =	vnsel vm0, $0x1FF, v3;
	v2 =	vcvt.s32.f32 v2;
	v0 =	vld [tilespmem:s2+$0x24C0];
	[tilespmem:s29+$0x4980] =	vst v10  }
0xda: {  	v11 =	vadd.f32 v1, v7;
	v1 =	vtrunc.f32 v5;
	v3 =	vcvt.s32.f32 v3;
	v5 =	vld [tilespmem:s26+$0x0]  }
0xdb: {  	v6 =	vtrunc.f32 v6;
	v7 =	vcvt.f32.s32 v1;
	v8 =	vadd.f32 v2, v8;
	v1 =	vld [tilespmem:s26+$0x24C0]  }
0xdc: {  	v6 =	vcvt.f32.s32 v6;
	v2 =	vadd.f32 v3, v9;
	v9 =	vmul.f32 $1.001956940e+00, v11;
	v3 =	vld [tilespmem:s2+$0x3100]  }
0xdd: {  	s6 =	simm.s32 $0x100;
	vm0 =	vlt.s32 v7, $0x1FF;
	v8 =	vmul.f32 $1.001956940e+00, v8  }
.LBB2_10:
0xde: {  	s21 =	sshra.s32 s6, $0x2;
	p0 =	sne.s32 s6, $0xC00;
	s6 =	sadd.s32 $0x40, s6;
	v12 =	vadd.f32 $5.000000000e-01, v4;
	vm1 =	vlt.s32 v6, $0x1FF;
	v7 =	vnsel vm0, $0x1FF, v7;
	[tilespmem:s29+$0x3D40] =	vst v9  }
.Ltmp4:
0xdf: {  	s29 =	smov.u32 s0;
	v4 =	vld [tilespmem:s21+$0xC40];
	v9 =	vadd.f32 $5.000000000e-01, v5;
	v6 =	vnsel vm1, $0x1FF, v6;
	v11 =	vcvt.s32.f32 v7;
	[tilespmem:s0+$0x4980] =	vst v8;
	s0 =	smov.u32 s2;
	(pc) =	sbr.rel @p0 .LBB2_10-.Ltmp4, $4  }
0xe0: {  	s2 =	smov.u32 s26;
	s26 =	smov.u32 s21;
	v5 =	vld [tilespmem:s21+$0x0];
	v7 =	vtrunc.f32 v12;
	v8 =	vcvt.s32.f32 v6;
	v10 =	vmov v1  }
0xe1: {  	v1 =	vld [tilespmem:s26+$0x24C0];
	v6 =	vtrunc.f32 v9;
	v7 =	vcvt.f32.s32 v7;
	v11 =	vadd.f32 v11, v3  }
0xe2: {  	v9 =	vmul.f32 $1.001956940e+00, v2;
	v6 =	vcvt.f32.s32 v6;
	v3 =	vld [tilespmem:s2+$0x3100];
	v2 =	vadd.f32 v8, v0;
	v0 =	vmovc v10  }
0xe3: {  	vm0 =	vlt.s32 v7, $0x1FF;
	v8 =	vmul.f32 $1.001956940e+00, v11  }
0xe4: {  	v4 =	vadd.f32 $5.000000000e-01, v4  }
0xe5: {  	v5 =	vadd.f32 $5.000000000e-01, v5  }
0xe6: {  	[tilespmem:s29+$0x3D40] =	vst v9;
	v4 =	vtrunc.f32 v4  }
0xe7: {  	[tilespmem:s0+$0x4980] =	vst v8;
	v5 =	vtrunc.f32 v5;
	v4 =	vcvt.f32.s32 v4  }
0xe8: {  	vm1 =	vlt.s32 v6, $0x1FF;
	v7 =	vnsel vm0, $0x1FF, v7;
	v8 =	vld [tilespmem:s26+$0x3100];
	v5 =	vcvt.f32.s32 v5  }
0xe9: {  	v6 =	vnsel vm1, $0x1FF, v6;
	v7 =	vcvt.s32.f32 v7;
	vm0 =	vlt.s32 v4, $0x1FF  }
0xea: {  	v6 =	vcvt.s32.f32 v6;
	vm1 =	vlt.s32 v5, $0x1FF;
	v4 =	vnsel vm0, $0x1FF, v4  }
0xeb: {  	v3 =	vadd.f32 v7, v3;
	v5 =	vnsel vm1, $0x1FF, v5;
	v4 =	vcvt.s32.f32 v4  }
0xec: {  	v2 =	vmul.f32 $1.001956940e+00, v2;
	v0 =	vadd.f32 v6, v0;
	v5 =	vcvt.s32.f32 v5  }
0xed: {  	v3 =	vmul.f32 $1.001956940e+00, v3;
	v4 =	vadd.f32 v4, v8  }
0xee: {  	[tilespmem:s0+$0x3D40] =	vst v2;
	v0 =	vmul.f32 $1.001956940e+00, v0;
	v1 =	vadd.f32 v5, v1  }
0xef: {  	[tilespmem:s2+$0x4980] =	vst v3;
	v2 =	vmul.f32 $1.001956940e+00, v4  }
0xf0: {  	[tilespmem:s2+$0x3D40] =	vst v0;
	v0 =	vmul.f32 $1.001956940e+00, v1  }
0xf1: {  	[tilespmem:s26+$0x4980] =	vst v2  }
0xf2: {  	[tilespmem:s26+$0x3D40] =	vst v0  }
0xf3: {  	_ =	swait.ge [sflag:s22], $0x310  }
0xf4: {  	[sflag:s22] =	ssyncset.done $0x0  }
0xf5: {  	[sflag:s22] =	ssyncadd.s32 $0xFFFFFCF0  }
0xf6: {  	_ =	swait.ge [sflag:s22], $0x310  }
0xf7: {  	[sflag:s22] =	ssyncset.done $0x0  }
0xf8: {  	s29 =	simm.s32 $0x0;
	[sflag:s22] =	ssyncadd.s32 $0xFFFFFCF0  }
0xf9: {  	v0 =	vld [tilespmem:s29+$0xF50];
	_ =	sdelay $0x4  }
0xfa: {  	s0 =	simm.s32 $0x10;
	v1 =	vld [tilespmem:s29+$0x310];
	v0 =	vadd.f32 $5.000000000e-01, v0  }
0xfb: {  	v2 =	vld [tilespmem:s0+$0xF50]  }
0xfc: {  	v3 =	vld [tilespmem:s0+$0x310];
	v0 =	vtrunc.f32 v0  }
0xfd: {  	v0 =	vcvt.f32.s32 v0  }
0xfe: {  	s2 =	simm.s32 $0x20;
	v4 =	vld [tilespmem:s29+$0x3410]  }
0xff: {  	v5 =	vld [tilespmem:s2+$0xF50];
	v1 =	vadd.f32 $5.000000000e-01, v1;
	vm0 =	vlt.s32 v0, $0x1FF  }
0x100: {  	v2 =	vadd.f32 $5.000000000e-01, v2;
	v0 =	vnsel vm0, $0x1FF, v0  }
0x101: {  	v3 =	vadd.f32 $5.000000000e-01, v3;
	v1 =	vtrunc.f32 v1;
	v0 =	vcvt.s32.f32 v0  }
0x102: {  	v6 =	vld [tilespmem:s2+$0x310];
	v2 =	vtrunc.f32 v2;
	v1 =	vcvt.f32.s32 v1  }
0x103: {  	v7 =	vld [tilespmem:s29+$0x27D0];
	v3 =	vtrunc.f32 v3;
	v2 =	vcvt.f32.s32 v2;
	v0 =	vadd.f32 v0, v4  }
0x104: {  	v8 =	vld [tilespmem:s0+$0x3410];
	v5 =	vadd.f32 $5.000000000e-01, v5;
	v3 =	vcvt.f32.s32 v3;
	vm0 =	vlt.s32 v1, $0x1FF  }
0x105: {  	s26 =	simm.s32 $0x30;
	v9 =	vld [tilespmem:s0+$0x27D0];
	v1 =	vnsel vm0, $0x1FF, v1;
	vm0 =	vlt.s32 v2, $0x1FF;
	v10 =	vmul.f32 $1.001956940e+00, v0  }
0x106: {  	vm1 =	vlt.s32 v3, $0x1FF;
	v1 =	vcvt.s32.f32 v1;
	v2 =	vnsel vm0, $0x1FF, v2;
	v4 =	vld [tilespmem:s26+$0xF50]  }
0x107: {  	v6 =	vadd.f32 $5.000000000e-01, v6;
	v3 =	vnsel vm1, $0x1FF, v3;
	v2 =	vcvt.s32.f32 v2;
	v0 =	vld [tilespmem:s2+$0x27D0];
	[tilespmem:s29+$0x4C90] =	vst v10  }
0x108: {  	v3 =	vcvt.s32.f32 v3;
	v11 =	vadd.f32 v1, v7;
	v1 =	vtrunc.f32 v5;
	v5 =	vld [tilespmem:s26+$0x310]  }
0x109: {  	v6 =	vtrunc.f32 v6;
	v7 =	vcvt.f32.s32 v1;
	v8 =	vadd.f32 v2, v8;
	v1 =	vld [tilespmem:s26+$0x27D0]  }
0x10a: {  	v6 =	vcvt.f32.s32 v6;
	v2 =	vadd.f32 v3, v9;
	v9 =	vmul.f32 $1.001956940e+00, v11;
	v3 =	vld [tilespmem:s2+$0x3410]  }
0x10b: {  	s6 =	simm.s32 $0x100;
	vm0 =	vlt.s32 v7, $0x1FF;
	v8 =	vmul.f32 $1.001956940e+00, v8  }
.LBB2_12:
0x10c: {  	s21 =	sshra.s32 s6, $0x2;
	p0 =	sne.s32 s6, $0xC00;
	s6 =	sadd.s32 $0x40, s6;
	v12 =	vadd.f32 $5.000000000e-01, v4;
	vm1 =	vlt.s32 v6, $0x1FF;
	v7 =	vnsel vm0, $0x1FF, v7;
	[tilespmem:s29+$0x4050] =	vst v9  }
.Ltmp5:
0x10d: {  	s29 =	smov.u32 s0;
	v4 =	vld [tilespmem:s21+$0xF50];
	v9 =	vadd.f32 $5.000000000e-01, v5;
	v6 =	vnsel vm1, $0x1FF, v6;
	v11 =	vcvt.s32.f32 v7;
	[tilespmem:s0+$0x4C90] =	vst v8;
	s0 =	smov.u32 s2;
	(pc) =	sbr.rel @p0 .LBB2_12-.Ltmp5, $4  }
0x10e: {  	s2 =	smov.u32 s26;
	s26 =	smov.u32 s21;
	v5 =	vld [tilespmem:s21+$0x310];
	v7 =	vtrunc.f32 v12;
	v8 =	vcvt.s32.f32 v6;
	v10 =	vmov v1  }
0x10f: {  	v1 =	vld [tilespmem:s26+$0x27D0];
	v6 =	vtrunc.f32 v9;
	v7 =	vcvt.f32.s32 v7;
	v11 =	vadd.f32 v11, v3  }
0x110: {  	v9 =	vmul.f32 $1.001956940e+00, v2;
	v6 =	vcvt.f32.s32 v6;
	v3 =	vld [tilespmem:s2+$0x3410];
	v2 =	vadd.f32 v8, v0;
	v0 =	vmovc v10  }
0x111: {  	vm0 =	vlt.s32 v7, $0x1FF;
	v8 =	vmul.f32 $1.001956940e+00, v11  }
0x112: {  	v4 =	vadd.f32 $5.000000000e-01, v4  }
0x113: {  	v5 =	vadd.f32 $5.000000000e-01, v5  }
0x114: {  	[tilespmem:s29+$0x4050] =	vst v9;
	v4 =	vtrunc.f32 v4  }
0x115: {  	[tilespmem:s0+$0x4C90] =	vst v8;
	v5 =	vtrunc.f32 v5;
	v4 =	vcvt.f32.s32 v4  }
0x116: {  	vm1 =	vlt.s32 v6, $0x1FF;
	v7 =	vnsel vm0, $0x1FF, v7;
	v8 =	vld [tilespmem:s26+$0x3410];
	v5 =	vcvt.f32.s32 v5  }
0x117: {  	v6 =	vnsel vm1, $0x1FF, v6;
	v7 =	vcvt.s32.f32 v7;
	vm0 =	vlt.s32 v4, $0x1FF  }
0x118: {  	v6 =	vcvt.s32.f32 v6;
	vm1 =	vlt.s32 v5, $0x1FF;
	v4 =	vnsel vm0, $0x1FF, v4  }
0x119: {  	v3 =	vadd.f32 v7, v3;
	v5 =	vnsel vm1, $0x1FF, v5;
	v4 =	vcvt.s32.f32 v4  }
0x11a: {  	v2 =	vmul.f32 $1.001956940e+00, v2;
	v0 =	vadd.f32 v6, v0;
	v5 =	vcvt.s32.f32 v5  }
0x11b: {  	v3 =	vmul.f32 $1.001956940e+00, v3;
	v4 =	vadd.f32 v4, v8  }
0x11c: {  	[tilespmem:s0+$0x4050] =	vst v2;
	v0 =	vmul.f32 $1.001956940e+00, v0;
	v1 =	vadd.f32 v5, v1  }
0x11d: {  	[tilespmem:s2+$0x4C90] =	vst v3;
	v2 =	vmul.f32 $1.001956940e+00, v4  }
0x11e: {  	[tilespmem:s2+$0x4050] =	vst v0;
	v0 =	vmul.f32 $1.001956940e+00, v1  }
0x11f: {  	[tilespmem:s26+$0x4C90] =	vst v2  }
0x120: {  	[tilespmem:s26+$0x4050] =	vst v0  }
0x121: {  	_ =	swait.ge [sflag:s23], $0x310  }
0x122: {  	[sflag:s23] =	ssyncset.done $0x0  }
0x123: {  	[sflag:s23] =	ssyncadd.s32 $0xFFFFFCF0  }
0x124: {  	_ =	swait.ge [sflag:s23], $0x310  }
0x125: {  	[sflag:s23] =	ssyncset.done $0x0  }
0x126: {  	s29 =	simm.s32 $0x0;
	[sflag:s23] =	ssyncadd.s32 $0xFFFFFCF0  }
0x127: {  	v0 =	vld [tilespmem:s29+$0x1260];
	_ =	sdelay $0x4  }
0x128: {  	s0 =	simm.s32 $0x10;
	v1 =	vld [tilespmem:s29+$0x620];
	v0 =	vadd.f32 $5.000000000e-01, v0  }
0x129: {  	v2 =	vld [tilespmem:s0+$0x1260]  }
0x12a: {  	v3 =	vld [tilespmem:s0+$0x620];
	v0 =	vtrunc.f32 v0  }
0x12b: {  	v0 =	vcvt.f32.s32 v0  }
0x12c: {  	s2 =	simm.s32 $0x20;
	v4 =	vld [tilespmem:s29+$0x3720]  }
0x12d: {  	v5 =	vld [tilespmem:s2+$0x1260];
	v1 =	vadd.f32 $5.000000000e-01, v1;
	vm0 =	vlt.s32 v0, $0x1FF  }
0x12e: {  	v2 =	vadd.f32 $5.000000000e-01, v2;
	v0 =	vnsel vm0, $0x1FF, v0  }
0x12f: {  	v3 =	vadd.f32 $5.000000000e-01, v3;
	v1 =	vtrunc.f32 v1;
	v0 =	vcvt.s32.f32 v0  }
0x130: {  	v6 =	vld [tilespmem:s2+$0x620];
	v2 =	vtrunc.f32 v2;
	v1 =	vcvt.f32.s32 v1  }
0x131: {  	v7 =	vld [tilespmem:s29+$0x2AE0];
	v3 =	vtrunc.f32 v3;
	v2 =	vcvt.f32.s32 v2;
	v0 =	vadd.f32 v0, v4  }
0x132: {  	v8 =	vld [tilespmem:s0+$0x3720];
	v5 =	vadd.f32 $5.000000000e-01, v5;
	v3 =	vcvt.f32.s32 v3;
	vm0 =	vlt.s32 v1, $0x1FF  }
0x133: {  	s26 =	simm.s32 $0x30;
	v9 =	vld [tilespmem:s0+$0x2AE0];
	v1 =	vnsel vm0, $0x1FF, v1;
	vm0 =	vlt.s32 v2, $0x1FF;
	v10 =	vmul.f32 $1.001956940e+00, v0  }
0x134: {  	vm1 =	vlt.s32 v3, $0x1FF;
	v1 =	vcvt.s32.f32 v1;
	v2 =	vnsel vm0, $0x1FF, v2;
	v4 =	vld [tilespmem:s26+$0x1260]  }
0x135: {  	v6 =	vadd.f32 $5.000000000e-01, v6;
	v3 =	vnsel vm1, $0x1FF, v3;
	v2 =	vcvt.s32.f32 v2;
	v0 =	vld [tilespmem:s2+$0x2AE0];
	[tilespmem:s29+$0x4FA0] =	vst v10  }
0x136: {  	v3 =	vcvt.s32.f32 v3;
	v11 =	vadd.f32 v1, v7;
	v1 =	vtrunc.f32 v5;
	v5 =	vld [tilespmem:s26+$0x620]  }
0x137: {  	v6 =	vtrunc.f32 v6;
	v7 =	vcvt.f32.s32 v1;
	v8 =	vadd.f32 v2, v8;
	v1 =	vld [tilespmem:s26+$0x2AE0]  }
0x138: {  	v6 =	vcvt.f32.s32 v6;
	v2 =	vadd.f32 v3, v9;
	v9 =	vmul.f32 $1.001956940e+00, v11;
	v3 =	vld [tilespmem:s2+$0x3720]  }
0x139: {  	s6 =	simm.s32 $0x100;
	vm0 =	vlt.s32 v7, $0x1FF;
	v8 =	vmul.f32 $1.001956940e+00, v8  }
.LBB2_14:
0x13a: {  	s21 =	sshra.s32 s6, $0x2;
	p0 =	sne.s32 s6, $0xC00;
	s6 =	sadd.s32 $0x40, s6;
	v12 =	vadd.f32 $5.000000000e-01, v4;
	vm1 =	vlt.s32 v6, $0x1FF;
	v7 =	vnsel vm0, $0x1FF, v7;
	[tilespmem:s29+$0x4360] =	vst v9  }
.Ltmp6:
0x13b: {  	s29 =	smov.u32 s0;
	v4 =	vld [tilespmem:s21+$0x1260];
	v9 =	vadd.f32 $5.000000000e-01, v5;
	v6 =	vnsel vm1, $0x1FF, v6;
	v11 =	vcvt.s32.f32 v7;
	[tilespmem:s0+$0x4FA0] =	vst v8;
	s0 =	smov.u32 s2;
	(pc) =	sbr.rel @p0 .LBB2_14-.Ltmp6, $4  }
0x13c: {  	s2 =	smov.u32 s26;
	s26 =	smov.u32 s21;
	v5 =	vld [tilespmem:s21+$0x620];
	v7 =	vtrunc.f32 v12;
	v8 =	vcvt.s32.f32 v6;
	v10 =	vmov v1  }
0x13d: {  	v1 =	vld [tilespmem:s26+$0x2AE0];
	v6 =	vtrunc.f32 v9;
	v7 =	vcvt.f32.s32 v7;
	v11 =	vadd.f32 v11, v3  }
0x13e: {  	v9 =	vmul.f32 $1.001956940e+00, v2;
	v6 =	vcvt.f32.s32 v6;
	v3 =	vld [tilespmem:s2+$0x3720];
	v2 =	vadd.f32 v8, v0;
	v0 =	vmovc v10  }
0x13f: {  	vm0 =	vlt.s32 v7, $0x1FF;
	v8 =	vmul.f32 $1.001956940e+00, v11  }
0x140: {  	v4 =	vadd.f32 $5.000000000e-01, v4  }
0x141: {  	v5 =	vadd.f32 $5.000000000e-01, v5  }
0x142: {  	[tilespmem:s29+$0x4360] =	vst v9;
	v4 =	vtrunc.f32 v4  }
0x143: {  	[tilespmem:s0+$0x4FA0] =	vst v8;
	v5 =	vtrunc.f32 v5;
	v4 =	vcvt.f32.s32 v4  }
0x144: {  	vm1 =	vlt.s32 v6, $0x1FF;
	v7 =	vnsel vm0, $0x1FF, v7;
	v8 =	vld [tilespmem:s26+$0x3720];
	v5 =	vcvt.f32.s32 v5  }
0x145: {  	v6 =	vnsel vm1, $0x1FF, v6;
	v7 =	vcvt.s32.f32 v7;
	vm0 =	vlt.s32 v4, $0x1FF  }
0x146: {  	v6 =	vcvt.s32.f32 v6;
	vm1 =	vlt.s32 v5, $0x1FF;
	v4 =	vnsel vm0, $0x1FF, v4  }
0x147: {  	v3 =	vadd.f32 v7, v3;
	v5 =	vnsel vm1, $0x1FF, v5;
	v4 =	vcvt.s32.f32 v4  }
0x148: {  	v2 =	vmul.f32 $1.001956940e+00, v2;
	v0 =	vadd.f32 v6, v0;
	v5 =	vcvt.s32.f32 v5  }
0x149: {  	v3 =	vmul.f32 $1.001956940e+00, v3;
	v4 =	vadd.f32 v4, v8  }
0x14a: {  	[tilespmem:s0+$0x4360] =	vst v2;
	v0 =	vmul.f32 $1.001956940e+00, v0;
	v1 =	vadd.f32 v5, v1  }
0x14b: {  	[tilespmem:s2+$0x4FA0] =	vst v3;
	v2 =	vmul.f32 $1.001956940e+00, v4  }
0x14c: {  	[tilespmem:s2+$0x4360] =	vst v0;
	v0 =	vmul.f32 $1.001956940e+00, v1  }
0x14d: {  	[tilespmem:s26+$0x4FA0] =	vst v2  }
0x14e: {  	[tilespmem:s26+$0x4360] =	vst v0  }
0x14f: {  	_ =	swait.ge [sflag:s25], $0x310  }
0x150: {  	[sflag:s25] =	ssyncset.done $0x0  }
0x151: {  	[sflag:s25] =	ssyncadd.s32 $0xFFFFFCF0  }
0x152: {  	_ =	swait.ge [sflag:s25], $0x310  }
0x153: {  	[sflag:s25] =	ssyncset.done $0x0  }
0x154: {  	s29 =	simm.s32 $0x0;
	[sflag:s25] =	ssyncadd.s32 $0xFFFFFCF0  }
0x155: {  	v0 =	vld [tilespmem:s29+$0x1570];
	_ =	sdelay $0x4  }
0x156: {  	s0 =	simm.s32 $0x10;
	v1 =	vld [tilespmem:s29+$0x930];
	v0 =	vadd.f32 $5.000000000e-01, v0  }
0x157: {  	v2 =	vld [tilespmem:s0+$0x1570]  }
0x158: {  	v3 =	vld [tilespmem:s0+$0x930];
	v0 =	vtrunc.f32 v0  }
0x159: {  	v0 =	vcvt.f32.s32 v0  }
0x15a: {  	s2 =	simm.s32 $0x20;
	v4 =	vld [tilespmem:s29+$0x3A30]  }
0x15b: {  	v5 =	vld [tilespmem:s2+$0x1570];
	v1 =	vadd.f32 $5.000000000e-01, v1;
	vm0 =	vlt.s32 v0, $0x1FF  }
0x15c: {  	v2 =	vadd.f32 $5.000000000e-01, v2;
	v0 =	vnsel vm0, $0x1FF, v0  }
0x15d: {  	v3 =	vadd.f32 $5.000000000e-01, v3;
	v1 =	vtrunc.f32 v1;
	v0 =	vcvt.s32.f32 v0  }
0x15e: {  	v6 =	vld [tilespmem:s2+$0x930];
	v2 =	vtrunc.f32 v2;
	v1 =	vcvt.f32.s32 v1  }
0x15f: {  	v7 =	vld [tilespmem:s29+$0x2DF0];
	v3 =	vtrunc.f32 v3;
	v2 =	vcvt.f32.s32 v2;
	v0 =	vadd.f32 v0, v4  }
0x160: {  	v8 =	vld [tilespmem:s0+$0x3A30];
	v5 =	vadd.f32 $5.000000000e-01, v5;
	v3 =	vcvt.f32.s32 v3;
	vm0 =	vlt.s32 v1, $0x1FF  }
0x161: {  	s26 =	simm.s32 $0x30;
	v9 =	vld [tilespmem:s0+$0x2DF0];
	v1 =	vnsel vm0, $0x1FF, v1;
	vm0 =	vlt.s32 v2, $0x1FF;
	v10 =	vmul.f32 $1.001956940e+00, v0  }
0x162: {  	vm1 =	vlt.s32 v3, $0x1FF;
	v1 =	vcvt.s32.f32 v1;
	v2 =	vnsel vm0, $0x1FF, v2;
	v4 =	vld [tilespmem:s26+$0x1570]  }
0x163: {  	v6 =	vadd.f32 $5.000000000e-01, v6;
	v3 =	vnsel vm1, $0x1FF, v3;
	v2 =	vcvt.s32.f32 v2;
	v0 =	vld [tilespmem:s2+$0x2DF0];
	[tilespmem:s29+$0x52B0] =	vst v10  }
0x164: {  	v3 =	vcvt.s32.f32 v3;
	v11 =	vadd.f32 v1, v7;
	v1 =	vtrunc.f32 v5;
	v5 =	vld [tilespmem:s26+$0x930]  }
0x165: {  	v6 =	vtrunc.f32 v6;
	v7 =	vcvt.f32.s32 v1;
	v8 =	vadd.f32 v2, v8;
	v1 =	vld [tilespmem:s26+$0x2DF0]  }
0x166: {  	v6 =	vcvt.f32.s32 v6;
	v2 =	vadd.f32 v3, v9;
	v9 =	vmul.f32 $1.001956940e+00, v11;
	v3 =	vld [tilespmem:s2+$0x3A30]  }
0x167: {  	s6 =	simm.s32 $0x100;
	vm0 =	vlt.s32 v7, $0x1FF;
	v8 =	vmul.f32 $1.001956940e+00, v8  }
.LBB2_16:
0x168: {  	s21 =	sshra.s32 s6, $0x2;
	p0 =	sne.s32 s6, $0xC00;
	s6 =	sadd.s32 $0x40, s6;
	v12 =	vadd.f32 $5.000000000e-01, v4;
	vm1 =	vlt.s32 v6, $0x1FF;
	v7 =	vnsel vm0, $0x1FF, v7;
	[tilespmem:s29+$0x4670] =	vst v9  }
.Ltmp7:
0x169: {  	s29 =	smov.u32 s0;
	v4 =	vld [tilespmem:s21+$0x1570];
	v9 =	vadd.f32 $5.000000000e-01, v5;
	v6 =	vnsel vm1, $0x1FF, v6;
	v11 =	vcvt.s32.f32 v7;
	[tilespmem:s0+$0x52B0] =	vst v8;
	s0 =	smov.u32 s2;
	(pc) =	sbr.rel @p0 .LBB2_16-.Ltmp7, $4  }
0x16a: {  	s2 =	smov.u32 s26;
	s26 =	smov.u32 s21;
	v5 =	vld [tilespmem:s21+$0x930];
	v7 =	vtrunc.f32 v12;
	v8 =	vcvt.s32.f32 v6;
	v10 =	vmov v1  }
0x16b: {  	v1 =	vld [tilespmem:s26+$0x2DF0];
	v6 =	vtrunc.f32 v9;
	v7 =	vcvt.f32.s32 v7;
	v11 =	vadd.f32 v11, v3  }
0x16c: {  	v9 =	vmul.f32 $1.001956940e+00, v2;
	v6 =	vcvt.f32.s32 v6;
	v3 =	vld [tilespmem:s2+$0x3A30];
	v2 =	vadd.f32 v8, v0;
	v0 =	vmovc v10  }
0x16d: {  	vm0 =	vlt.s32 v7, $0x1FF;
	v8 =	vmul.f32 $1.001956940e+00, v11  }
0x16e: {  	v4 =	vadd.f32 $5.000000000e-01, v4  }
0x16f: {  	v5 =	vadd.f32 $5.000000000e-01, v5  }
0x170: {  	[tilespmem:s29+$0x4670] =	vst v9;
	v4 =	vtrunc.f32 v4  }
0x171: {  	[tilespmem:s0+$0x52B0] =	vst v8;
	v5 =	vtrunc.f32 v5;
	v4 =	vcvt.f32.s32 v4  }
0x172: {  	vm1 =	vlt.s32 v6, $0x1FF;
	v7 =	vnsel vm0, $0x1FF, v7;
	v8 =	vld [tilespmem:s26+$0x3A30];
	v5 =	vcvt.f32.s32 v5  }
0x173: {  	v6 =	vnsel vm1, $0x1FF, v6;
	v7 =	vcvt.s32.f32 v7;
	vm14 =	vlt.s32 v4, $0x1FF  }
0x174: {  	v6 =	vcvt.s32.f32 v6;
	vm15 =	vlt.s32 v5, $0x1FF;
	v4 =	vnsel vm14, $0x1FF, v4  }
0x175: {  	v3 =	vadd.f32 v7, v3;
	v5 =	vnsel vm15, $0x1FF, v5;
	v4 =	vcvt.s32.f32 v4  }
0x176: {  	v2 =	vmul.f32 $1.001956940e+00, v2;
	v0 =	vadd.f32 v6, v0;
	v5 =	vcvt.s32.f32 v5  }
0x177: {  	v3 =	vmul.f32 $1.001956940e+00, v3;
	v4 =	vadd.f32 v4, v8  }
0x178: {  	[tilespmem:s0+$0x4670] =	vst v2;
	v0 =	vmul.f32 $1.001956940e+00, v0;
	v1 =	vadd.f32 v5, v1  }
0x179: {  	[tilespmem:s2+$0x52B0] =	vst v3;
	v62 =	vmul.f32 $1.001956940e+00, v4  }
0x17a: {  	[tilespmem:s2+$0x4670] =	vst v0;
	v63 =	vmul.f32 $1.001956940e+00, v1  }
0x17b: {  	[tilespmem:s26+$0x52B0] =	vst v62  }
0x17c: {  	[tilespmem:s26+$0x4670] =	vst v63;
	s26 =	simm.s32 $0x3D40  }
0x17d: {  	[hbm4b:s10+s4] =	stream.linear.scatter [tilespmem:s26], [sflag:$0x7], $0xC40, $0x38;
	[tilespmem:$0xD5C0] =	vst v63  }
0x17e: {  	s30 =	sadd.s32 $0x1, s30;
	_ =	swait.ge [sflag:s16], $0xC40  }
0x17f: {  	p0 =	sne.s32 s30, s12;
	[sflag:s16] =	ssyncset.done $0x0  }
.Ltmp8:
0x180: {  	s29 =	simm.s32 $0x4980;
	[sflag:s16] =	ssyncadd.s32 $0xFFFFF3C0;
	(pc) =	sbr.rel @p0 .LBB2_1-.Ltmp8, $4  }
0x181: {  	[hbm4b:s11+s4] =	stream.linear.scatter [tilespmem:s29], [sflag:$0x7], $0xC40, $0x38;
	[tilespmem:$0xD5C0] =	vst v63  }
0x182: {  	_ =	swait.ge [sflag:s16], $0xC40  }
0x183: {  	[sflag:s16] =	ssyncset.done $0x0  }
0x184: {  	[sflag:s16] =	ssyncadd.s32 $0xFFFFF3C0  }
0x185: {  	_ =	sfence.sel $0x180000  }
0x186: {  	[bflag:$0x0] =	sbarrier.arrive $0xFFFF  }
0x187: {  	_ =	strace $0x90000047  }
0x188: {  	s0 =	stileid.u32;
	[bflag:$0x2] =	sbarrier.arrive $0xFFFF  }
0x189: {  	p0 =	sne.s32 s0, $0x0;
	s0 =	rddreg [dreg:$0x4]  }
0x18a: {  	s0 =	sadd.s32 @!p0 $0x100000, s0  }
0x18b: {  	[sflag:s0] =	ssyncadd.tile.s32 @!p0 $0x1;
	_ =	shalt  }
.Lfunc_end2:
_tile_overlayer_lowered:
.L_overlay_start_2:
0x18c: {  	(tag) =	ssettag $0x2  }
0x18d: {  	s0 =	rddreg [dreg:$0x0];
	s2 =	stileid.u32  }
0x18e: {  	s1 =	rddreg [dreg:$0x1];
	p0 =	sne.s32 s2, $0x0  }
0x18f: {  	s3 =	rddreg [dreg:$0x2];
	[bflag:$0x3] =	sbarrier.arrive $0xFFFF;
	s2 =	simm.s32 @!p0 $0x1C07  }
0x190: {  	[timem:s3], [sflag:s2] =	dma.local @!p0 [hbm:s0], s1  }
0x191: {  	s0 =	simm.s32 @!p0 $0x7  }
0x192: {  	_ =	swait.ge @!p0 [sflag:s0], s1  }
0x193: {  	s1 =	ssub.s32 @!p0 $0x0, s1;
	[sflag:s0] =	ssyncset.done @!p0 $0x0  }
0x194: {  	[sflag:s0] =	ssyncadd.s32 @!p0 s1  }
0x195: {  	[bflag:$0x3] =	sbarrier.arrive $0xFFFF  }
0x196: {  	_ =	shalt  }

</sc_bundles>
